<compile_context>
chip_gen: v7x
topology: tpu7x:2x2x1
jax: 0.10.2.dev20260603
libtpu: 0.0.44.dev20260713+nightly
codegen_flags: <defaults>
</compile_context>

<pallas_src>
import functools

import jax
import jax.numpy as jnp
from jax import lax
from jax.experimental import pallas as pl
from jax.experimental.pallas import tpu as pltpu, tpu_sc as plsc

_N_NODES = 10000
_N_EDGES = 320000
_D_EDGE = 16
_D_FEAT = 128
_N_GRAPHS = 64

_NC = 2
_NS = 16
_NW = _NC * _NS
_EPT = _N_EDGES // _NW
_CHUNK = 128
_NFULL = _EPT // _CHUNK
_TAIL = _EPT - _NFULL * _CHUNK
_NPAD = 10240
_RPT = _NPAD // _NS


def _edge_scatter_body(src_hbm, attr_hbm, sum_out, cnt_out,
                       idx_v, idx_t, rows_v, rows_t, ones_v,
                       sum_sh, cnt_sh):
    cid = lax.axis_index("c")
    sid = lax.axis_index("s")
    w = cid * _NS + sid
    ebase = w * _EPT

    ones16 = jnp.ones((16,), jnp.float32)
    zeros16 = jnp.zeros((16,), jnp.float32)

    @pl.loop(0, _CHUNK)
    def _(r):
        ones_v[r, :] = ones16
        rows_v[r, :] = zeros16

    @pl.loop(0, _RPT // _CHUNK)
    def _(j):
        zslice = pl.ds(sid * _RPT + j * _CHUNK, _CHUNK)
        pltpu.sync_copy(rows_v, sum_sh.at[zslice, :])
        pltpu.sync_copy(rows_v, cnt_sh.at[zslice, :])

    plsc.subcore_barrier()

    @pl.loop(0, _NFULL)
    def _(i):
        base = ebase + i * _CHUNK
        pltpu.sync_copy(src_hbm.at[pl.ds(base, _CHUNK)], idx_v)
        pltpu.sync_copy(attr_hbm.at[pl.ds(base, _CHUNK), :], rows_v)
        pltpu.sync_copy(rows_v, sum_sh.at[idx_v], add=True)
        pltpu.sync_copy(ones_v, cnt_sh.at[idx_v], add=True)

    tbase = ebase + _NFULL * _CHUNK
    pltpu.sync_copy(src_hbm.at[pl.ds(tbase, _TAIL)], idx_t)
    pltpu.sync_copy(attr_hbm.at[pl.ds(tbase, _TAIL), :], rows_t)
    pltpu.sync_copy(rows_t, sum_sh.at[idx_t], add=True)
    pltpu.sync_copy(ones_v.at[pl.ds(0, _TAIL), :], cnt_sh.at[idx_t], add=True)

    plsc.subcore_barrier()

    @pl.loop(0, _RPT // _CHUNK)
    def _(j):
        dslice = pl.ds(sid * _RPT + j * _CHUNK, _CHUNK)
        pltpu.sync_copy(sum_sh.at[dslice, :], rows_v)
        pltpu.sync_copy(rows_v, sum_out.at[cid, dslice, :])
        pltpu.sync_copy(cnt_sh.at[dslice, :], rows_v)
        pltpu.sync_copy(rows_v, cnt_out.at[cid, dslice, :])


@functools.cache
def _edge_scatter():
  return pl.kernel(
    _edge_scatter_body,
    out_type=(
        jax.ShapeDtypeStruct((_NC, _NPAD, _D_EDGE), jnp.float32),
        jax.ShapeDtypeStruct((_NC, _NPAD, _D_EDGE), jnp.float32),
    ),
    mesh=plsc.VectorSubcoreMesh(core_axis_name="c", subcore_axis_name="s"),
    scratch_types=[
        pltpu.VMEM((_CHUNK,), jnp.int32),
        pltpu.VMEM((_TAIL,), jnp.int32),
        pltpu.VMEM((_CHUNK, _D_EDGE), jnp.float32),
        pltpu.VMEM((_TAIL, _D_EDGE), jnp.float32),
        pltpu.VMEM((_CHUNK, _D_EDGE), jnp.float32),
        pltpu.VMEM_SHARED((_NPAD, _D_EDGE), jnp.float32),
        pltpu.VMEM_SHARED((_NPAD, _D_EDGE), jnp.float32),
    ],
    name="edge_scatter_sc",
  )


def _pool_mlp_body(sum_ref, cnt_ref, x_ref, b_ref, u_ref,
                   w1_ref, b1_ref, w2_ref, b2_ref, o_ref):
    node_sum = sum_ref[0, 0:_N_NODES, :] + sum_ref[1, 0:_N_NODES, :]
    node_cnt = (cnt_ref[0, 0:_N_NODES, :] + cnt_ref[1, 0:_N_NODES, :])[:, 0:1]
    ue_node = node_sum / jnp.maximum(node_cnt, 1.0)

    gids = lax.broadcasted_iota(jnp.int32, (_N_NODES, _N_GRAPHS), 1)
    onehot = (b_ref[...] == gids).astype(jnp.float32)

    cat = jnp.concatenate(
        [ue_node, x_ref[...], jnp.ones((_N_NODES, 1), jnp.float32)], axis=1)
    seg = lax.dot_general(onehot, cat, (((0,), (0,)), ((), ())),
                          preferred_element_type=jnp.float32)
    cnt_g = jnp.maximum(seg[:, _D_EDGE + _D_FEAT:], 1.0)
    pooled = seg[:, : _D_EDGE + _D_FEAT] / cnt_g

    comb = jnp.concatenate([pooled, u_ref[...]], axis=1)
    h = jnp.maximum(
        lax.dot_general(comb, w1_ref[...], (((1,), (0,)), ((), ())),
                        preferred_element_type=jnp.float32) + b1_ref[...],
        0.0)
    o_ref[...] = lax.dot_general(h, w2_ref[...], (((1,), (0,)), ((), ())),
                                 preferred_element_type=jnp.float32) + b2_ref[...]


_pool_mlp = pl.pallas_call(
    _pool_mlp_body,
    out_shape=jax.ShapeDtypeStruct((_N_GRAPHS, 128), jnp.float32),
)


@jax.jit
def kernel(x, edge_index, edge_attr, u, batch, W1, b1, W2, b2):
    src = edge_index[0].astype(jnp.int32)
    sum_p, cnt_p = _edge_scatter()(src, edge_attr)
    batch2 = batch.astype(jnp.int32).reshape(_N_NODES, 1)
    return _pool_mlp(sum_p, cnt_p, x, batch2, u,
                     W1, b1.reshape(1, -1), W2, b2.reshape(1, -1))

# --- scband reference (transcript-rebuilt; emitter-appended) ---
"""Pipeline reference for scband-megnet-global-model-82343112999494 (READ-ONLY COPY).

The authoritative reference and input builder live on the scoring server;
editing this copy changes nothing except your own understanding.
"""

import jax, jax.numpy as jnp
import numpy as np

N_NODES = 10000
N_EDGES = 320000
D_FEAT = 128
D_EDGE = 16
N_GRAPHS = 64
D_U = 128
IN_DIM = D_EDGE + D_FEAT + D_U  # 272
HID = 128
OUT = 128


def scatter_mean(data, idx, num_segments):
    s = jax.ops.segment_sum(data, idx, num_segments=num_segments)
    c = jax.ops.segment_sum(jnp.ones((data.shape[0], 1), data.dtype), idx, num_segments=num_segments)
    return s / jnp.maximum(c, 1.0)


def setup_inputs(seed: int = 0) -> dict:
    key = jax.random.key(seed)
    k1, k2, k3, k4, k5, k6, k7, k8, k9 = jax.random.split(key, 9)
    x = jax.random.normal(k1, (N_NODES, D_FEAT), dtype=jnp.float32)
    edge_index = jax.random.randint(k2, (2, N_EDGES), 0, N_NODES, dtype=jnp.int64)
    edge_attr = jax.random.normal(k3, (N_EDGES, D_EDGE), dtype=jnp.float32)
    u = jax.random.normal(k4, (N_GRAPHS, D_U), dtype=jnp.float32)
    batch = jnp.sort(jax.random.randint(k5, (N_NODES,), 0, N_GRAPHS, dtype=jnp.int64))
    W1 = jax.random.normal(k6, (IN_DIM, HID), dtype=jnp.float32) * (1.0 / np.sqrt(IN_DIM))
    b1 = jnp.zeros((HID,), dtype=jnp.float32)
    W2 = jax.random.normal(k7, (HID, OUT), dtype=jnp.float32) * (1.0 / np.sqrt(HID))
    b2 = jnp.zeros((OUT,), dtype=jnp.float32)
    return {"x": x, "edge_index": edge_index, "edge_attr": edge_attr, "u": u, "batch": batch,
            "W1": W1, "b1": b1, "W2": W2, "b2": b2}


def reference(x, edge_index, edge_attr, u, batch, W1, b1, W2, b2):
    # u_e = scatter_mean(edge_attr, edge_index[0, :], dim=0)
    u_e = scatter_mean(edge_attr, edge_index[0, :], N_NODES)
    # u_e = scatter_mean(u_e, batch, dim=0)
    u_e = scatter_mean(u_e, batch, N_GRAPHS)
    # u_v = scatter_mean(x, batch, dim=0)
    u_v = scatter_mean(x, batch, N_GRAPHS)
    comb = jnp.concatenate([u_e, u_v, u], axis=1)
    # FCNN: 2-layer MLP (Linear -> ReLU -> Linear)
    h = jax.nn.relu(comb @ W1 + b1)
    out = h @ W2 + b2
    return out

if __name__ == "__main__":
    import jax
    _d = setup_inputs()
    print(jax.jit(kernel)(*tuple(_d.values())))

</pallas_src>

<mosaic_0001>
#map = affine_map<(d0, d1) -> (0)>
#map1 = affine_map<(d0, d1) -> (0, 0)>
#map2 = affine_map<(d0, d1) -> (0, 0, 0)>
module attributes {stable_mosaic.version = 14 : i64} {
  func.func @edge_scatter_sc(%arg0: i32, %arg1: i32, %arg2: memref<320000xi32, #tpu.memory_space<hbm>>, %arg3: memref<320000x16xf32, #tpu.memory_space<hbm>>, %arg4: memref<2x10240x16xf32, #tpu.memory_space<hbm>>, %arg5: memref<2x10240x16xf32, #tpu.memory_space<hbm>>, %arg6: memref<128xi32, #tpu.memory_space<vmem>>, %arg7: memref<16xi32, #tpu.memory_space<vmem>>, %arg8: memref<128x16xf32, #tpu.memory_space<vmem>>, %arg9: memref<16x16xf32, #tpu.memory_space<vmem>>, %arg10: memref<128x16xf32, #tpu.memory_space<vmem>>, %arg11: memref<10240x16xf32, #tpu.memory_space<vmem_shared>>, %arg12: memref<10240x16xf32, #tpu.memory_space<vmem_shared>>) attributes {dimension_semantics = [#tpu.dimension_semantics<core_parallel>, #tpu.dimension_semantics<subcore_parallel>], iteration_bounds = array<i64: 2, 16>, scalar_prefetch = 0 : i64, scratch_operands = 7 : i64, tpu.core_type = #tpu.core_type<sc_vector_subcore>, window_params = [{transform_indices = #map}, {transform_indices = #map1}, {transform_indices = #map2}, {transform_indices = #map2}]} {
    %mul3A = arith.constant 16 : i32
    %mul3A_0 = arith.muli %arg0, %mul3A : i32
    %add3A = arith.addi %mul3A_0, %arg1 : i32
    %mul3A_1 = arith.constant 10000 : i32
    %mul3A_2 = arith.muli %add3A, %mul3A_1 : i32
    %broadcast_in_dim3A = arith.constant 1.000000e+00 : f32
    %broadcast_in_dim3A_3 = vector.broadcast %broadcast_in_dim3A : f32 to vector<16xf32>
    %broadcast_in_dim3A_4 = arith.constant 0.000000e+00 : f32
    %broadcast_in_dim3A_5 = vector.broadcast %broadcast_in_dim3A_4 : f32 to vector<16xf32>
    %scan3A = arith.constant 0 : i32
    %scan3A_6 = arith.constant 128 : i32
    %scan3A_7 = arith.addi %scan3A, %scan3A_6 : i32
    %scan3A_8 = arith.constant 1 : i32
    scf.for %scan3A_28 = %scan3A to %scan3A_7 step %scan3A_8  : i32 {
      %mul3A_29 = arith.constant 1 : i32
      %mul3A_30 = arith.muli %scan3A_28, %mul3A_29 : i32
      %add3A_31 = arith.constant 0 : i32
      %add3A_32 = arith.addi %add3A_31, %mul3A_30 : i32
      %swap3A = arith.index_cast %add3A_32 : i32 to index
      %swap3A_33 = arith.constant 0 : index
      %swap3A_34 = tpu.vector_load %arg10[%swap3A, %swap3A_33] {strides = array<i32>} : memref<128x16xf32, #tpu.memory_space<vmem>>, vector<1x16xf32>,
      %swap3A_35 = vector.shape_cast %swap3A_34 : vector<1x16xf32> to vector<16xf32>
      %swap3A_36 = vector.shape_cast %broadcast_in_dim3A_3 : vector<16xf32> to vector<1x16xf32>
      tpu.vector_store %arg10[%swap3A, %swap3A_33], %swap3A_36 {strides = array<i32>} : memref<128x16xf32, #tpu.memory_space<vmem>>, vector<1x16xf32>,
      %swap3A_37 = arith.index_cast %add3A_32 : i32 to index
      %swap3A_38 = arith.constant 0 : index
      %swap3A_39 = tpu.vector_load %arg8[%swap3A_37, %swap3A_38] {strides = array<i32>} : memref<128x16xf32, #tpu.memory_space<vmem>>, vector<1x16xf32>,
      %swap3A_40 = vector.shape_cast %swap3A_39 : vector<1x16xf32> to vector<16xf32>
      %swap3A_41 = vector.shape_cast %broadcast_in_dim3A_5 : vector<16xf32> to vector<1x16xf32>
      tpu.vector_store %arg8[%swap3A_37, %swap3A_38], %swap3A_41 {strides = array<i32>} : memref<128x16xf32, #tpu.memory_space<vmem>>, vector<1x16xf32>,
    }
    %scan3A_9 = arith.constant 128 : i32
    %scan3A_10 = arith.constant 0 : i32
    %scan3A_11 = arith.constant 5 : i32
    %scan3A_12 = arith.addi %scan3A_10, %scan3A_11 : i32
    %scan3A_13 = arith.constant 1 : i32
    scf.for %scan3A_28 = %scan3A_10 to %scan3A_12 step %scan3A_13  : i32 {
      %mul3A_29 = arith.constant 1 : i32
      %mul3A_30 = arith.muli %scan3A_28, %mul3A_29 : i32
      %add3A_31 = arith.constant 0 : i32
      %add3A_32 = arith.addi %add3A_31, %mul3A_30 : i32
      %mul3A_33 = arith.constant 640 : i32
      %mul3A_34 = arith.muli %arg1, %mul3A_33 : i32
      %mul3A_35 = arith.constant 128 : i32
      %mul3A_36 = arith.muli %add3A_32, %mul3A_35 : i32
      %add3A_37 = arith.addi %mul3A_34, %mul3A_36 : i32
      "tpu.region"() ({
        %run_scoped3A = tpu.sem_alloc : memref<!tpu.dma_semaphore, #tpu.memory_space<semaphore_mem>>
        %dma_start3A = arith.constant 0 : i32
        %dma_start3A_38 = tpu.memref_slice %arg11[%add3A_37, %dma_start3A] : memref<10240x16xf32, #tpu.memory_space<vmem_shared>> -> memref<128x16xf32, #tpu.memory_space<vmem_shared>>
        %dma_start3A_39 = arith.constant 0 : i32
        %dma_start3A_40 = tpu.memref_slice %arg11[%add3A_37, %dma_start3A_39] : memref<10240x16xf32, #tpu.memory_space<vmem_shared>> -> memref<128x16xf32, #tpu.memory_space<vmem_shared>>
        tpu.enqueue_dma source(%arg8 : memref<128x16xf32, #tpu.memory_space<vmem>>) target(%dma_start3A_40 : memref<128x16xf32, #tpu.memory_space<vmem_shared>>) target_semaphore(%run_scoped3A : memref<!tpu.dma_semaphore, #tpu.memory_space<semaphore_mem>>)
        %dma_wait3A = arith.constant 0 : i32
        %dma_wait3A_41 = tpu.memref_slice %arg11[%add3A_37, %dma_wait3A] : memref<10240x16xf32, #tpu.memory_space<vmem_shared>> -> memref<128x16xf32, #tpu.memory_space<vmem_shared>>
        %dma_wait3A_42 = arith.constant 0 : i32
        %dma_wait3A_43 = tpu.memref_slice %arg11[%add3A_37, %dma_wait3A_42] : memref<10240x16xf32, #tpu.memory_space<vmem_shared>> -> memref<128x16xf32, #tpu.memory_space<vmem_shared>>
        tpu.wait_dma2 semaphore(%run_scoped3A : memref<!tpu.dma_semaphore, #tpu.memory_space<semaphore_mem>>) src(%arg8 : memref<128x16xf32, #tpu.memory_space<vmem>>) dst(%dma_wait3A_43 : memref<128x16xf32, #tpu.memory_space<vmem_shared>>)
        tpu.yield
      }) : () -> ()
      "tpu.region"() ({
        %run_scoped3A = tpu.sem_alloc : memref<!tpu.dma_semaphore, #tpu.memory_space<semaphore_mem>>
        %dma_start3A = arith.constant 0 : i32
        %dma_start3A_38 = tpu.memref_slice %arg12[%add3A_37, %dma_start3A] : memref<10240x16xf32, #tpu.memory_space<vmem_shared>> -> memref<128x16xf32, #tpu.memory_space<vmem_shared>>
        %dma_start3A_39 = arith.constant 0 : i32
        %dma_start3A_40 = tpu.memref_slice %arg12[%add3A_37, %dma_start3A_39] : memref<10240x16xf32, #tpu.memory_space<vmem_shared>> -> memref<128x16xf32, #tpu.memory_space<vmem_shared>>
        tpu.enqueue_dma source(%arg8 : memref<128x16xf32, #tpu.memory_space<vmem>>) target(%dma_start3A_40 : memref<128x16xf32, #tpu.memory_space<vmem_shared>>) target_semaphore(%run_scoped3A : memref<!tpu.dma_semaphore, #tpu.memory_space<semaphore_mem>>)
        %dma_wait3A = arith.constant 0 : i32
        %dma_wait3A_41 = tpu.memref_slice %arg12[%add3A_37, %dma_wait3A] : memref<10240x16xf32, #tpu.memory_space<vmem_shared>> -> memref<128x16xf32, #tpu.memory_space<vmem_shared>>
        %dma_wait3A_42 = arith.constant 0 : i32
        %dma_wait3A_43 = tpu.memref_slice %arg12[%add3A_37, %dma_wait3A_42] : memref<10240x16xf32, #tpu.memory_space<vmem_shared>> -> memref<128x16xf32, #tpu.memory_space<vmem_shared>>
        tpu.wait_dma2 semaphore(%run_scoped3A : memref<!tpu.dma_semaphore, #tpu.memory_space<semaphore_mem>>) src(%arg8 : memref<128x16xf32, #tpu.memory_space<vmem>>) dst(%dma_wait3A_43 : memref<128x16xf32, #tpu.memory_space<vmem_shared>>)
        tpu.yield
      }) : () -> ()
    }
    %scan3A_14 = arith.constant 5 : i32
    %barrier3A = arith.constant 0 : index
    tpu.barrier barrier_id(%barrier3A)
    %scan3A_15 = arith.constant 0 : i32
    %scan3A_16 = arith.constant 78 : i32
    %scan3A_17 = arith.addi %scan3A_15, %scan3A_16 : i32
    %scan3A_18 = arith.constant 1 : i32
    scf.for %scan3A_28 = %scan3A_15 to %scan3A_17 step %scan3A_18  : i32 {
      %mul3A_29 = arith.constant 1 : i32
      %mul3A_30 = arith.muli %scan3A_28, %mul3A_29 : i32
      %add3A_31 = arith.constant 0 : i32
      %add3A_32 = arith.addi %add3A_31, %mul3A_30 : i32
      %mul3A_33 = arith.constant 128 : i32
      %mul3A_34 = arith.muli %add3A_32, %mul3A_33 : i32
      %add3A_35 = arith.addi %mul3A_2, %mul3A_34 : i32
      "tpu.region"() ({
        %run_scoped3A = tpu.sem_alloc : memref<!tpu.dma_semaphore, #tpu.memory_space<semaphore_mem>>
        %dma_start3A = tpu.memref_slice %arg2[%add3A_35] : memref<320000xi32, #tpu.memory_space<hbm>> -> memref<128xi32, #tpu.memory_space<hbm>>
        %dma_start3A_36 = tpu.memref_slice %arg2[%add3A_35] : memref<320000xi32, #tpu.memory_space<hbm>> -> memref<128xi32, #tpu.memory_space<hbm>>
        tpu.enqueue_dma source(%dma_start3A_36 : memref<128xi32, #tpu.memory_space<hbm>>) target(%arg6 : memref<128xi32, #tpu.memory_space<vmem>>) target_semaphore(%run_scoped3A : memref<!tpu.dma_semaphore, #tpu.memory_space<semaphore_mem>>)
        %dma_wait3A = tpu.memref_slice %arg2[%add3A_35] : memref<320000xi32, #tpu.memory_space<hbm>> -> memref<128xi32, #tpu.memory_space<hbm>>
        %dma_wait3A_37 = tpu.memref_slice %arg2[%add3A_35] : memref<320000xi32, #tpu.memory_space<hbm>> -> memref<128xi32, #tpu.memory_space<hbm>>
        tpu.wait_dma2 semaphore(%run_scoped3A : memref<!tpu.dma_semaphore, #tpu.memory_space<semaphore_mem>>) src(%dma_wait3A_37 : memref<128xi32, #tpu.memory_space<hbm>>) dst(%arg6 : memref<128xi32, #tpu.memory_space<vmem>>)
        tpu.yield
      }) : () -> ()
      "tpu.region"() ({
        %run_scoped3A = tpu.sem_alloc : memref<!tpu.dma_semaphore, #tpu.memory_space<semaphore_mem>>
        %dma_start3A = arith.constant 0 : i32
        %dma_start3A_36 = tpu.memref_slice %arg3[%add3A_35, %dma_start3A] : memref<320000x16xf32, #tpu.memory_space<hbm>> -> memref<128x16xf32, #tpu.memory_space<hbm>>
        %dma_start3A_37 = arith.constant 0 : i32
        %dma_start3A_38 = tpu.memref_slice %arg3[%add3A_35, %dma_start3A_37] : memref<320000x16xf32, #tpu.memory_space<hbm>> -> memref<128x16xf32, #tpu.memory_space<hbm>>
        tpu.enqueue_dma source(%dma_start3A_38 : memref<128x16xf32, #tpu.memory_space<hbm>>) target(%arg8 : memref<128x16xf32, #tpu.memory_space<vmem>>) target_semaphore(%run_scoped3A : memref<!tpu.dma_semaphore, #tpu.memory_space<semaphore_mem>>)
        %dma_wait3A = arith.constant 0 : i32
        %dma_wait3A_39 = tpu.memref_slice %arg3[%add3A_35, %dma_wait3A] : memref<320000x16xf32, #tpu.memory_space<hbm>> -> memref<128x16xf32, #tpu.memory_space<hbm>>
        %dma_wait3A_40 = arith.constant 0 : i32
        %dma_wait3A_41 = tpu.memref_slice %arg3[%add3A_35, %dma_wait3A_40] : memref<320000x16xf32, #tpu.memory_space<hbm>> -> memref<128x16xf32, #tpu.memory_space<hbm>>
        tpu.wait_dma2 semaphore(%run_scoped3A : memref<!tpu.dma_semaphore, #tpu.memory_space<semaphore_mem>>) src(%dma_wait3A_41 : memref<128x16xf32, #tpu.memory_space<hbm>>) dst(%arg8 : memref<128x16xf32, #tpu.memory_space<vmem>>)
        tpu.yield
      }) : () -> ()
      "tpu.region"() ({
        %run_scoped3A = tpu.sem_alloc : memref<!tpu.dma_semaphore, #tpu.memory_space<semaphore_mem>>
        %dma_start3A = arith.constant 0 : i32
        %dma_start3A_36 = arith.constant 0 : i32
        %dma_start3A_37 = tpu.memref_slice %arg11[%dma_start3A, %dma_start3A_36] : memref<10240x16xf32, #tpu.memory_space<vmem_shared>> -> memref<10240x16xf32, #tpu.memory_space<vmem_shared>>
        tpu.enqueue_indirect_dma source(%arg8 : memref<128x16xf32, #tpu.memory_space<vmem>>) target(%dma_start3A_37 : memref<10240x16xf32, #tpu.memory_space<vmem_shared>>) offsets(%arg6 : memref<128xi32, #tpu.memory_space<vmem>>) semaphore(%run_scoped3A : memref<!tpu.dma_semaphore, #tpu.memory_space<semaphore_mem>>) {add = true}
        %dma_wait3A = arith.constant 0 : i32
        %dma_wait3A_38 = arith.constant 0 : i32
        %dma_wait3A_39 = tpu.memref_slice %arg11[%dma_wait3A, %dma_wait3A_38] : memref<10240x16xf32, #tpu.memory_space<vmem_shared>> -> memref<10240x16xf32, #tpu.memory_space<vmem_shared>>
        tpu.wait_indirect_dma semaphore(%run_scoped3A : memref<!tpu.dma_semaphore, #tpu.memory_space<semaphore_mem>>) src(%arg8 : memref<128x16xf32, #tpu.memory_space<vmem>>) dst(%dma_wait3A_39 : memref<10240x16xf32, #tpu.memory_space<vmem_shared>>)
        tpu.yield
      }) : () -> ()
      "tpu.region"() ({
        %run_scoped3A = tpu.sem_alloc : memref<!tpu.dma_semaphore, #tpu.memory_space<semaphore_mem>>
        %dma_start3A = arith.constant 0 : i32
        %dma_start3A_36 = arith.constant 0 : i32
        %dma_start3A_37 = tpu.memref_slice %arg12[%dma_start3A, %dma_start3A_36] : memref<10240x16xf32, #tpu.memory_space<vmem_shared>> -> memref<10240x16xf32, #tpu.memory_space<vmem_shared>>
        tpu.enqueue_indirect_dma source(%arg10 : memref<128x16xf32, #tpu.memory_space<vmem>>) target(%dma_start3A_37 : memref<10240x16xf32, #tpu.memory_space<vmem_shared>>) offsets(%arg6 : memref<128xi32, #tpu.memory_space<vmem>>) semaphore(%run_scoped3A : memref<!tpu.dma_semaphore, #tpu.memory_space<semaphore_mem>>) {add = true}
        %dma_wait3A = arith.constant 0 : i32
        %dma_wait3A_38 = arith.constant 0 : i32
        %dma_wait3A_39 = tpu.memref_slice %arg12[%dma_wait3A, %dma_wait3A_38] : memref<10240x16xf32, #tpu.memory_space<vmem_shared>> -> memref<10240x16xf32, #tpu.memory_space<vmem_shared>>
        tpu.wait_indirect_dma semaphore(%run_scoped3A : memref<!tpu.dma_semaphore, #tpu.memory_space<semaphore_mem>>) src(%arg10 : memref<128x16xf32, #tpu.memory_space<vmem>>) dst(%dma_wait3A_39 : memref<10240x16xf32, #tpu.memory_space<vmem_shared>>)
        tpu.yield
      }) : () -> ()
    }
    %scan3A_19 = arith.constant 78 : i32
    %add3A_20 = arith.constant 9984 : i32
    %add3A_21 = arith.addi %mul3A_2, %add3A_20 : i32
    "tpu.region"() ({
      %run_scoped3A = tpu.sem_alloc : memref<!tpu.dma_semaphore, #tpu.memory_space<semaphore_mem>>
      %dma_start3A = tpu.memref_slice %arg2[%add3A_21] : memref<320000xi32, #tpu.memory_space<hbm>> -> memref<16xi32, #tpu.memory_space<hbm>>
      %dma_start3A_28 = tpu.memref_slice %arg2[%add3A_21] : memref<320000xi32, #tpu.memory_space<hbm>> -> memref<16xi32, #tpu.memory_space<hbm>>
      tpu.enqueue_dma source(%dma_start3A_28 : memref<16xi32, #tpu.memory_space<hbm>>) target(%arg7 : memref<16xi32, #tpu.memory_space<vmem>>) target_semaphore(%run_scoped3A : memref<!tpu.dma_semaphore, #tpu.memory_space<semaphore_mem>>)
      %dma_wait3A = tpu.memref_slice %arg2[%add3A_21] : memref<320000xi32, #tpu.memory_space<hbm>> -> memref<16xi32, #tpu.memory_space<hbm>>
      %dma_wait3A_29 = tpu.memref_slice %arg2[%add3A_21] : memref<320000xi32, #tpu.memory_space<hbm>> -> memref<16xi32, #tpu.memory_space<hbm>>
      tpu.wait_dma2 semaphore(%run_scoped3A : memref<!tpu.dma_semaphore, #tpu.memory_space<semaphore_mem>>) src(%dma_wait3A_29 : memref<16xi32, #tpu.memory_space<hbm>>) dst(%arg7 : memref<16xi32, #tpu.memory_space<vmem>>)
      tpu.yield
    }) : () -> ()
    "tpu.region"() ({
      %run_scoped3A = tpu.sem_alloc : memref<!tpu.dma_semaphore, #tpu.memory_space<semaphore_mem>>
      %dma_start3A = arith.constant 0 : i32
      %dma_start3A_28 = tpu.memref_slice %arg3[%add3A_21, %dma_start3A] : memref<320000x16xf32, #tpu.memory_space<hbm>> -> memref<16x16xf32, #tpu.memory_space<hbm>>
      %dma_start3A_29 = arith.constant 0 : i32
      %dma_start3A_30 = tpu.memref_slice %arg3[%add3A_21, %dma_start3A_29] : memref<320000x16xf32, #tpu.memory_space<hbm>> -> memref<16x16xf32, #tpu.memory_space<hbm>>
      tpu.enqueue_dma source(%dma_start3A_30 : memref<16x16xf32, #tpu.memory_space<hbm>>) target(%arg9 : memref<16x16xf32, #tpu.memory_space<vmem>>) target_semaphore(%run_scoped3A : memref<!tpu.dma_semaphore, #tpu.memory_space<semaphore_mem>>)
      %dma_wait3A = arith.constant 0 : i32
      %dma_wait3A_31 = tpu.memref_slice %arg3[%add3A_21, %dma_wait3A] : memref<320000x16xf32, #tpu.memory_space<hbm>> -> memref<16x16xf32, #tpu.memory_space<hbm>>
      %dma_wait3A_32 = arith.constant 0 : i32
      %dma_wait3A_33 = tpu.memref_slice %arg3[%add3A_21, %dma_wait3A_32] : memref<320000x16xf32, #tpu.memory_space<hbm>> -> memref<16x16xf32, #tpu.memory_space<hbm>>
      tpu.wait_dma2 semaphore(%run_scoped3A : memref<!tpu.dma_semaphore, #tpu.memory_space<semaphore_mem>>) src(%dma_wait3A_33 : memref<16x16xf32, #tpu.memory_space<hbm>>) dst(%arg9 : memref<16x16xf32, #tpu.memory_space<vmem>>)
      tpu.yield
    }) : () -> ()
    "tpu.region"() ({
      %run_scoped3A = tpu.sem_alloc : memref<!tpu.dma_semaphore, #tpu.memory_space<semaphore_mem>>
      %dma_start3A = arith.constant 0 : i32
      %dma_start3A_28 = arith.constant 0 : i32
      %dma_start3A_29 = tpu.memref_slice %arg11[%dma_start3A, %dma_start3A_28] : memref<10240x16xf32, #tpu.memory_space<vmem_shared>> -> memref<10240x16xf32, #tpu.memory_space<vmem_shared>>
      tpu.enqueue_indirect_dma source(%arg9 : memref<16x16xf32, #tpu.memory_space<vmem>>) target(%dma_start3A_29 : memref<10240x16xf32, #tpu.memory_space<vmem_shared>>) offsets(%arg7 : memref<16xi32, #tpu.memory_space<vmem>>) semaphore(%run_scoped3A : memref<!tpu.dma_semaphore, #tpu.memory_space<semaphore_mem>>) {add = true}
      %dma_wait3A = arith.constant 0 : i32
      %dma_wait3A_30 = arith.constant 0 : i32
      %dma_wait3A_31 = tpu.memref_slice %arg11[%dma_wait3A, %dma_wait3A_30] : memref<10240x16xf32, #tpu.memory_space<vmem_shared>> -> memref<10240x16xf32, #tpu.memory_space<vmem_shared>>
      tpu.wait_indirect_dma semaphore(%run_scoped3A : memref<!tpu.dma_semaphore, #tpu.memory_space<semaphore_mem>>) src(%arg9 : memref<16x16xf32, #tpu.memory_space<vmem>>) dst(%dma_wait3A_31 : memref<10240x16xf32, #tpu.memory_space<vmem_shared>>)
      tpu.yield
    }) : () -> ()
    "tpu.region"() ({
      %run_scoped3A = tpu.sem_alloc : memref<!tpu.dma_semaphore, #tpu.memory_space<semaphore_mem>>
      %dma_start3A = arith.constant 0 : i32
      %dma_start3A_28 = arith.constant 0 : i32
      %dma_start3A_29 = tpu.memref_slice %arg10[%dma_start3A, %dma_start3A_28] : memref<128x16xf32, #tpu.memory_space<vmem>> -> memref<16x16xf32, #tpu.memory_space<vmem>>
      %dma_start3A_30 = arith.constant 0 : i32
      %dma_start3A_31 = arith.constant 0 : i32
      %dma_start3A_32 = tpu.memref_slice %arg12[%dma_start3A_30, %dma_start3A_31] : memref<10240x16xf32, #tpu.memory_space<vmem_shared>> -> memref<10240x16xf32, #tpu.memory_space<vmem_shared>>
      tpu.enqueue_indirect_dma source(%dma_start3A_29 : memref<16x16xf32, #tpu.memory_space<vmem>>) target(%dma_start3A_32 : memref<10240x16xf32, #tpu.memory_space<vmem_shared>>) offsets(%arg7 : memref<16xi32, #tpu.memory_space<vmem>>) semaphore(%run_scoped3A : memref<!tpu.dma_semaphore, #tpu.memory_space<semaphore_mem>>) {add = true}
      %dma_wait3A = arith.constant 0 : i32
      %dma_wait3A_33 = arith.constant 0 : i32
      %dma_wait3A_34 = tpu.memref_slice %arg10[%dma_wait3A, %dma_wait3A_33] : memref<128x16xf32, #tpu.memory_space<vmem>> -> memref<16x16xf32, #tpu.memory_space<vmem>>
      %dma_wait3A_35 = arith.constant 0 : i32
      %dma_wait3A_36 = arith.constant 0 : i32
      %dma_wait3A_37 = tpu.memref_slice %arg12[%dma_wait3A_35, %dma_wait3A_36] : memref<10240x16xf32, #tpu.memory_space<vmem_shared>> -> memref<10240x16xf32, #tpu.memory_space<vmem_shared>>
      tpu.wait_indirect_dma semaphore(%run_scoped3A : memref<!tpu.dma_semaphore, #tpu.memory_space<semaphore_mem>>) src(%dma_wait3A_34 : memref<16x16xf32, #tpu.memory_space<vmem>>) dst(%dma_wait3A_37 : memref<10240x16xf32, #tpu.memory_space<vmem_shared>>)
      tpu.yield
    }) : () -> ()
    %barrier3A_22 = arith.constant 0 : index
    tpu.barrier barrier_id(%barrier3A_22)
    %scan3A_23 = arith.constant 0 : i32
    %scan3A_24 = arith.constant 5 : i32
    %scan3A_25 = arith.addi %scan3A_23, %scan3A_24 : i32
    %scan3A_26 = arith.constant 1 : i32
    scf.for %scan3A_28 = %scan3A_23 to %scan3A_25 step %scan3A_26  : i32 {
      %mul3A_29 = arith.constant 1 : i32
      %mul3A_30 = arith.muli %scan3A_28, %mul3A_29 : i32
      %add3A_31 = arith.constant 0 : i32
      %add3A_32 = arith.addi %add3A_31, %mul3A_30 : i32
      %mul3A_33 = arith.constant 640 : i32
      %mul3A_34 = arith.muli %arg1, %mul3A_33 : i32
      %mul3A_35 = arith.constant 128 : i32
      %mul3A_36 = arith.muli %add3A_32, %mul3A_35 : i32
      %add3A_37 = arith.addi %mul3A_34, %mul3A_36 : i32
      "tpu.region"() ({
        %run_scoped3A = tpu.sem_alloc : memref<!tpu.dma_semaphore, #tpu.memory_space<semaphore_mem>>
        %dma_start3A = arith.constant 0 : i32
        %dma_start3A_38 = tpu.memref_slice %arg11[%add3A_37, %dma_start3A] : memref<10240x16xf32, #tpu.memory_space<vmem_shared>> -> memref<128x16xf32, #tpu.memory_space<vmem_shared>>
        %dma_start3A_39 = arith.constant 0 : i32
        %dma_start3A_40 = tpu.memref_slice %arg11[%add3A_37, %dma_start3A_39] : memref<10240x16xf32, #tpu.memory_space<vmem_shared>> -> memref<128x16xf32, #tpu.memory_space<vmem_shared>>
        tpu.enqueue_dma source(%dma_start3A_40 : memref<128x16xf32, #tpu.memory_space<vmem_shared>>) target(%arg8 : memref<128x16xf32, #tpu.memory_space<vmem>>) target_semaphore(%run_scoped3A : memref<!tpu.dma_semaphore, #tpu.memory_space<semaphore_mem>>)
        %dma_wait3A = arith.constant 0 : i32
        %dma_wait3A_41 = tpu.memref_slice %arg11[%add3A_37, %dma_wait3A] : memref<10240x16xf32, #tpu.memory_space<vmem_shared>> -> memref<128x16xf32, #tpu.memory_space<vmem_shared>>
        %dma_wait3A_42 = arith.constant 0 : i32
        %dma_wait3A_43 = tpu.memref_slice %arg11[%add3A_37, %dma_wait3A_42] : memref<10240x16xf32, #tpu.memory_space<vmem_shared>> -> memref<128x16xf32, #tpu.memory_space<vmem_shared>>
        tpu.wait_dma2 semaphore(%run_scoped3A : memref<!tpu.dma_semaphore, #tpu.memory_space<semaphore_mem>>) src(%dma_wait3A_43 : memref<128x16xf32, #tpu.memory_space<vmem_shared>>) dst(%arg8 : memref<128x16xf32, #tpu.memory_space<vmem>>)
        tpu.yield
      }) : () -> ()
      "tpu.region"() ({
        %run_scoped3A = tpu.sem_alloc : memref<!tpu.dma_semaphore, #tpu.memory_space<semaphore_mem>>
        %dma_start3A = arith.constant 0 : i32
        %dma_start3A_38 = tpu.memref_slice %arg4[%arg0, %add3A_37, %dma_start3A] : memref<2x10240x16xf32, #tpu.memory_space<hbm>> -> memref<1x128x16xf32, #tpu.memory_space<hbm>>
        %dma_start3A_39 = tpu.memref_squeeze %dma_start3A_38 : memref<1x128x16xf32, #tpu.memory_space<hbm>> -> memref<128x16xf32, #tpu.memory_space<hbm>>
        %dma_start3A_40 = arith.constant 0 : i32
        %dma_start3A_41 = tpu.memref_slice %arg4[%arg0, %add3A_37, %dma_start3A_40] : memref<2x10240x16xf32, #tpu.memory_space<hbm>> -> memref<1x128x16xf32, #tpu.memory_space<hbm>>
        %dma_start3A_42 = tpu.memref_squeeze %dma_start3A_41 : memref<1x128x16xf32, #tpu.memory_space<hbm>> -> memref<128x16xf32, #tpu.memory_space<hbm>>
        tpu.enqueue_dma source(%arg8 : memref<128x16xf32, #tpu.memory_space<vmem>>) target(%dma_start3A_42 : memref<128x16xf32, #tpu.memory_space<hbm>>) target_semaphore(%run_scoped3A : memref<!tpu.dma_semaphore, #tpu.memory_space<semaphore_mem>>)
        %dma_wait3A = arith.constant 0 : i32
        %dma_wait3A_43 = tpu.memref_slice %arg4[%arg0, %add3A_37, %dma_wait3A] : memref<2x10240x16xf32, #tpu.memory_space<hbm>> -> memref<1x128x16xf32, #tpu.memory_space<hbm>>
        %dma_wait3A_44 = tpu.memref_squeeze %dma_wait3A_43 : memref<1x128x16xf32, #tpu.memory_space<hbm>> -> memref<128x16xf32, #tpu.memory_space<hbm>>
        %dma_wait3A_45 = arith.constant 0 : i32
        %dma_wait3A_46 = tpu.memref_slice %arg4[%arg0, %add3A_37, %dma_wait3A_45] : memref<2x10240x16xf32, #tpu.memory_space<hbm>> -> memref<1x128x16xf32, #tpu.memory_space<hbm>>
        %dma_wait3A_47 = tpu.memref_squeeze %dma_wait3A_46 : memref<1x128x16xf32, #tpu.memory_space<hbm>> -> memref<128x16xf32, #tpu.memory_space<hbm>>
        tpu.wait_dma2 semaphore(%run_scoped3A : memref<!tpu.dma_semaphore, #tpu.memory_space<semaphore_mem>>) src(%arg8 : memref<128x16xf32, #tpu.memory_space<vmem>>) dst(%dma_wait3A_47 : memref<128x16xf32, #tpu.memory_space<hbm>>)
        tpu.yield
      }) : () -> ()
      "tpu.region"() ({
        %run_scoped3A = tpu.sem_alloc : memref<!tpu.dma_semaphore, #tpu.memory_space<semaphore_mem>>
        %dma_start3A = arith.constant 0 : i32
        %dma_start3A_38 = tpu.memref_slice %arg12[%add3A_37, %dma_start3A] : memref<10240x16xf32, #tpu.memory_space<vmem_shared>> -> memref<128x16xf32, #tpu.memory_space<vmem_shared>>
        %dma_start3A_39 = arith.constant 0 : i32
        %dma_start3A_40 = tpu.memref_slice %arg12[%add3A_37, %dma_start3A_39] : memref<10240x16xf32, #tpu.memory_space<vmem_shared>> -> memref<128x16xf32, #tpu.memory_space<vmem_shared>>
        tpu.enqueue_dma source(%dma_start3A_40 : memref<128x16xf32, #tpu.memory_space<vmem_shared>>) target(%arg8 : memref<128x16xf32, #tpu.memory_space<vmem>>) target_semaphore(%run_scoped3A : memref<!tpu.dma_semaphore, #tpu.memory_space<semaphore_mem>>)
        %dma_wait3A = arith.constant 0 : i32
        %dma_wait3A_41 = tpu.memref_slice %arg12[%add3A_37, %dma_wait3A] : memref<10240x16xf32, #tpu.memory_space<vmem_shared>> -> memref<128x16xf32, #tpu.memory_space<vmem_shared>>
        %dma_wait3A_42 = arith.constant 0 : i32
        %dma_wait3A_43 = tpu.memref_slice %arg12[%add3A_37, %dma_wait3A_42] : memref<10240x16xf32, #tpu.memory_space<vmem_shared>> -> memref<128x16xf32, #tpu.memory_space<vmem_shared>>
        tpu.wait_dma2 semaphore(%run_scoped3A : memref<!tpu.dma_semaphore, #tpu.memory_space<semaphore_mem>>) src(%dma_wait3A_43 : memref<128x16xf32, #tpu.memory_space<vmem_shared>>) dst(%arg8 : memref<128x16xf32, #tpu.memory_space<vmem>>)
        tpu.yield
      }) : () -> ()
      "tpu.region"() ({
        %run_scoped3A = tpu.sem_alloc : memref<!tpu.dma_semaphore, #tpu.memory_space<semaphore_mem>>
        %dma_start3A = arith.constant 0 : i32
        %dma_start3A_38 = tpu.memref_slice %arg5[%arg0, %add3A_37, %dma_start3A] : memref<2x10240x16xf32, #tpu.memory_space<hbm>> -> memref<1x128x16xf32, #tpu.memory_space<hbm>>
        %dma_start3A_39 = tpu.memref_squeeze %dma_start3A_38 : memref<1x128x16xf32, #tpu.memory_space<hbm>> -> memref<128x16xf32, #tpu.memory_space<hbm>>
        %dma_start3A_40 = arith.constant 0 : i32
        %dma_start3A_41 = tpu.memref_slice %arg5[%arg0, %add3A_37, %dma_start3A_40] : memref<2x10240x16xf32, #tpu.memory_space<hbm>> -> memref<1x128x16xf32, #tpu.memory_space<hbm>>
        %dma_start3A_42 = tpu.memref_squeeze %dma_start3A_41 : memref<1x128x16xf32, #tpu.memory_space<hbm>> -> memref<128x16xf32, #tpu.memory_space<hbm>>
        tpu.enqueue_dma source(%arg8 : memref<128x16xf32, #tpu.memory_space<vmem>>) target(%dma_start3A_42 : memref<128x16xf32, #tpu.memory_space<hbm>>) target_semaphore(%run_scoped3A : memref<!tpu.dma_semaphore, #tpu.memory_space<semaphore_mem>>)
        %dma_wait3A = arith.constant 0 : i32
        %dma_wait3A_43 = tpu.memref_slice %arg5[%arg0, %add3A_37, %dma_wait3A] : memref<2x10240x16xf32, #tpu.memory_space<hbm>> -> memref<1x128x16xf32, #tpu.memory_space<hbm>>
        %dma_wait3A_44 = tpu.memref_squeeze %dma_wait3A_43 : memref<1x128x16xf32, #tpu.memory_space<hbm>> -> memref<128x16xf32, #tpu.memory_space<hbm>>
        %dma_wait3A_45 = arith.constant 0 : i32
        %dma_wait3A_46 = tpu.memref_slice %arg5[%arg0, %add3A_37, %dma_wait3A_45] : memref<2x10240x16xf32, #tpu.memory_space<hbm>> -> memref<1x128x16xf32, #tpu.memory_space<hbm>>
        %dma_wait3A_47 = tpu.memref_squeeze %dma_wait3A_46 : memref<1x128x16xf32, #tpu.memory_space<hbm>> -> memref<128x16xf32, #tpu.memory_space<hbm>>
        tpu.wait_dma2 semaphore(%run_scoped3A : memref<!tpu.dma_semaphore, #tpu.memory_space<semaphore_mem>>) src(%arg8 : memref<128x16xf32, #tpu.memory_space<vmem>>) dst(%dma_wait3A_47 : memref<128x16xf32, #tpu.memory_space<hbm>>)
        tpu.yield
      }) : () -> ()
    }
    %scan3A_27 = arith.constant 5 : i32
    return
  }
}

module attributes {stable_mosaic.version = 14 : i64} {
  func.func @_pool_mlp_body(%arg0: memref<2x10240x16xf32, #tpu.memory_space<vmem>>, %arg1: memref<2x10240x16xf32, #tpu.memory_space<vmem>>, %arg2: memref<10000x128xf32, #tpu.memory_space<vmem>>, %arg3: memref<10000x1xi32, #tpu.memory_space<vmem>>, %arg4: memref<64x128xf32, #tpu.memory_space<vmem>>, %arg5: memref<272x128xf32, #tpu.memory_space<vmem>>, %arg6: memref<1x128xf32, #tpu.memory_space<vmem>>, %arg7: memref<128x128xf32, #tpu.memory_space<vmem>>, %arg8: memref<1x128xf32, #tpu.memory_space<vmem>>, %arg9: memref<64x128xf32, #tpu.memory_space<vmem>>) attributes {dimension_semantics = [], scalar_prefetch = 0 : i64, scratch_operands = 0 : i64, tpu.core_type = #tpu.core_type<tc>} {
    %get3A = arith.constant 0 : index
    %get3A_0 = arith.constant 0 : index
    %get3A_1 = arith.constant 0 : index
    %get3A_2 = vector.load %arg0[%get3A, %get3A_0, %get3A_1] : memref<2x10240x16xf32, #tpu.memory_space<vmem>>, vector<1x10000x16xf32>
    %get3A_3 = vector.shape_cast %get3A_2 : vector<1x10000x16xf32> to vector<10000x16xf32>
    %get3A_4 = arith.constant 1 : index
    %get3A_5 = arith.constant 0 : index
    %get3A_6 = arith.constant 0 : index
    %get3A_7 = vector.load %arg0[%get3A_4, %get3A_5, %get3A_6] : memref<2x10240x16xf32, #tpu.memory_space<vmem>>, vector<1x10000x16xf32>
    %get3A_8 = vector.shape_cast %get3A_7 : vector<1x10000x16xf32> to vector<10000x16xf32>
    %add3A = arith.addf %get3A_3, %get3A_8 : vector<10000x16xf32>
    %get3A_9 = arith.constant 0 : index
    %get3A_10 = arith.constant 0 : index
    %get3A_11 = arith.constant 0 : index
    %get3A_12 = vector.load %arg1[%get3A_9, %get3A_10, %get3A_11] : memref<2x10240x16xf32, #tpu.memory_space<vmem>>, vector<1x10000x16xf32>
    %get3A_13 = vector.shape_cast %get3A_12 : vector<1x10000x16xf32> to vector<10000x16xf32>
    %get3A_14 = arith.constant 1 : index
    %get3A_15 = arith.constant 0 : index
    %get3A_16 = arith.constant 0 : index
    %get3A_17 = vector.load %arg1[%get3A_14, %get3A_15, %get3A_16] : memref<2x10240x16xf32, #tpu.memory_space<vmem>>, vector<1x10000x16xf32>
    %get3A_18 = vector.shape_cast %get3A_17 : vector<1x10000x16xf32> to vector<10000x16xf32>
    %add3A_19 = arith.addf %get3A_13, %get3A_18 : vector<10000x16xf32>
    %slice3A = vector.extract_strided_slice %add3A_19 {offsets = [0, 0], sizes = [10000, 1], strides = [1, 1]} : vector<10000x16xf32> to vector<10000x1xf32>
    %max3A = arith.constant 1.000000e+00 : f32
    %max3A_20 = vector.broadcast %max3A : f32 to vector<10000x1xf32>
    %max3A_21 = arith.maximumf %slice3A, %max3A_20 : vector<10000x1xf32>
    %div3A = vector.broadcast %max3A_21 : vector<10000x1xf32> to vector<10000x16xf32>
    %div3A_22 = arith.divf %add3A, %div3A : vector<10000x16xf32>
    %iota3A = tpu.iota {dimensions = array<i32: 1>} : vector<10000x64xi32>
    %get3A_23 = arith.constant 0 : index
    %get3A_24 = arith.constant 0 : index
    %get3A_25 = vector.load %arg3[%get3A_23, %get3A_24] : memref<10000x1xi32, #tpu.memory_space<vmem>>, vector<10000x1xi32>
    %eq3A = vector.broadcast %get3A_25 : vector<10000x1xi32> to vector<10000x64xi32>
    %eq3A_26 = arith.cmpi eq, %eq3A, %iota3A : vector<10000x64xi32>
    %convert_element_type3A = arith.extui %eq3A_26 : vector<10000x64xi1> to vector<10000x64xi32>
    %convert_element_type3A_27 = arith.sitofp %convert_element_type3A : vector<10000x64xi32> to vector<10000x64xf32>
    %get3A_28 = arith.constant 0 : index
    %get3A_29 = arith.constant 0 : index
    %get3A_30 = vector.load %arg2[%get3A_28, %get3A_29] : memref<10000x128xf32, #tpu.memory_space<vmem>>, vector<10000x128xf32>
    %broadcast_in_dim3A = arith.constant 1.000000e+00 : f32
    %broadcast_in_dim3A_31 = vector.broadcast %broadcast_in_dim3A : f32 to vector<10000x1xf32>
    %concatenate3A = tpu.concatenate %div3A_22, %get3A_30, %broadcast_in_dim3A_31 in 1 : vector<10000x16xf32>, vector<10000x128xf32>, vector<10000x1xf32> -> vector<10000x145xf32>
    %dot_general3A = arith.constant dense<0.000000e+00> : vector<64x145xf32>
    %dot_general3A_32 = tpu.matmul %convert_element_type3A_27, %concatenate3A, %dot_general3A {dimension_numbers = #tpu.dot_dimension_numbers<[0], [0], [1], [1], [0, 1, 1, 1], [], []>, transpose_lhs_hint = false} : vector<10000x64xf32>, vector<10000x145xf32>, vector<64x145xf32> -> vector<64x145xf32>
    %slice3A_33 = vector.extract_strided_slice %dot_general3A_32 {offsets = [0, 144], sizes = [64, 1], strides = [1, 1]} : vector<64x145xf32> to vector<64x1xf32>
    %max3A_34 = arith.constant 1.000000e+00 : f32
    %max3A_35 = vector.broadcast %max3A_34 : f32 to vector<64x1xf32>
    %max3A_36 = arith.maximumf %slice3A_33, %max3A_35 : vector<64x1xf32>
    %slice3A_37 = vector.extract_strided_slice %dot_general3A_32 {offsets = [0, 0], sizes = [64, 144], strides = [1, 1]} : vector<64x145xf32> to vector<64x144xf32>
    %div3A_38 = vector.broadcast %max3A_36 : vector<64x1xf32> to vector<64x144xf32>
    %div3A_39 = arith.divf %slice3A_37, %div3A_38 : vector<64x144xf32>
    %get3A_40 = arith.constant 0 : index
    %get3A_41 = arith.constant 0 : index
    %get3A_42 = vector.load %arg4[%get3A_40, %get3A_41] : memref<64x128xf32, #tpu.memory_space<vmem>>, vector<64x128xf32>
    %concatenate3A_43 = tpu.concatenate %div3A_39, %get3A_42 in 1 : vector<64x144xf32>, vector<64x128xf32> -> vector<64x272xf32>
    %get3A_44 = arith.constant 0 : index
    %get3A_45 = arith.constant 0 : index
    %get3A_46 = vector.load %arg5[%get3A_44, %get3A_45] : memref<272x128xf32, #tpu.memory_space<vmem>>, vector<272x128xf32>
    %dot_general3A_47 = arith.constant dense<0.000000e+00> : vector<64x128xf32>
    %dot_general3A_48 = tpu.matmul %concatenate3A_43, %get3A_46, %dot_general3A_47 {dimension_numbers = #tpu.dot_dimension_numbers<[1], [0], [0], [1], [0, 0, 1, 1], [], []>, transpose_lhs_hint = false} : vector<64x272xf32>, vector<272x128xf32>, vector<64x128xf32> -> vector<64x128xf32>
    %get3A_49 = arith.constant 0 : index
    %get3A_50 = arith.constant 0 : index
    %get3A_51 = vector.load %arg6[%get3A_49, %get3A_50] : memref<1x128xf32, #tpu.memory_space<vmem>>, vector<1x128xf32>
    %add3A_52 = vector.broadcast %get3A_51 : vector<1x128xf32> to vector<64x128xf32>
    %add3A_53 = arith.addf %dot_general3A_48, %add3A_52 : vector<64x128xf32>
    %max3A_54 = arith.constant 0.000000e+00 : f32
    %max3A_55 = vector.broadcast %max3A_54 : f32 to vector<64x128xf32>
    %max3A_56 = arith.maximumf %add3A_53, %max3A_55 : vector<64x128xf32>
    %get3A_57 = arith.constant 0 : index
    %get3A_58 = arith.constant 0 : index
    %get3A_59 = vector.load %arg7[%get3A_57, %get3A_58] : memref<128x128xf32, #tpu.memory_space<vmem>>, vector<128x128xf32>
    %dot_general3A_60 = arith.constant dense<0.000000e+00> : vector<64x128xf32>
    %dot_general3A_61 = tpu.matmul %max3A_56, %get3A_59, %dot_general3A_60 {dimension_numbers = #tpu.dot_dimension_numbers<[1], [0], [0], [1], [0, 0, 1, 1], [], []>, transpose_lhs_hint = false} : vector<64x128xf32>, vector<128x128xf32>, vector<64x128xf32> -> vector<64x128xf32>
    %get3A_62 = arith.constant 0 : index
    %get3A_63 = arith.constant 0 : index
    %get3A_64 = vector.load %arg8[%get3A_62, %get3A_63] : memref<1x128xf32, #tpu.memory_space<vmem>>, vector<1x128xf32>
    %add3A_65 = vector.broadcast %get3A_64 : vector<1x128xf32> to vector<64x128xf32>
    %add3A_66 = arith.addf %dot_general3A_61, %add3A_65 : vector<64x128xf32>
    %swap3A = arith.constant 0 : index
    %swap3A_67 = arith.constant 0 : index
    %swap3A_68 = vector.load %arg9[%swap3A, %swap3A_67] : memref<64x128xf32, #tpu.memory_space<vmem>>, vector<64x128xf32>
    tpu.vector_store %arg9[%swap3A, %swap3A_67], %add3A_66 {strides = array<i32>} : memref<64x128xf32, #tpu.memory_space<vmem>>, vector<64x128xf32>,
    return
  }
}

</mosaic_0001>

<sc_bundles>
// kernel: edge_scatter_sc.3.cloned.1.call-start
scs
__scs_entry_jumppad:
0x0: {  	(pc) =	sbr.rel $0x88, $3  }
0x1: {  	(tag) =	ssettag $0x0;
	lr =	simm.s32 $0x1  }
0x2: {  	[smem:$0x3F98] =	sst lr;
	_ =	strace $0xD0000000  }
0x3: {  	_ = 	snop  }
0x4: {  	_ = 	snop  }
0x5: {  	_ = 	snop  }
0x6: {  	_ = 	snop  }
0x7: {  	_ = 	snop  }
__scs_overlays_trampoline_lowered:
0x8: {  	[smem:$0x3FA7] =	sst s0  }
0x9: {  	[smem:$0x3FA8] =	sst s1  }
0xa: {  	[smem:$0x3FA9] =	sst s2  }
0xb: {  	[smem:$0x3FAA] =	sst s3  }
0xc: {  	[smem:$0x3FAB] =	sst s4  }
0xd: {  	[smem:$0x3FAC] =	sst s5  }
0xe: {  	[smem:$0x3FAD] =	sst s6  }
0xf: {  	[smem:$0x3FAE] =	sst s7  }
0x10: {  	[smem:$0x3FAF] =	sst s8  }
0x11: {  	[smem:$0x3FB0] =	sst s9;
	s0 =	simm.s32 @!p0 $0x0  }
0x12: {  	s1 =	sld [smem:$0x3F96];
	s0 =	simm.s32 @p0 $0x1  }
0x13: {  	[smem:$0x3FB1] =	sst s0;
	s0 =	simm.s32 @!p1 $0x0  }
0x14: {  	s2 =	sld [smem:$0x3F95];
	s0 =	simm.s32 @p1 $0x1  }
0x15: {  	[smem:$0x3FB2] =	sst s0;
	s0 =	simm.s32 @!p2 $0x0  }
0x16: {  	s3 =	sld [smem:$0x3FDB];
	s0 =	simm.s32 @p2 $0x1  }
0x17: {  	s4 =	simm.s32 $0x1BF5;
	[smem:$0x3FB4] =	sst s0  }
0x18: {  	s0 =	sld [smem:$0x3F97];
	_ =	swait.ge [sflag:s4], $0x0  }
0x19: {  	s7 =	sld [smem:$0x3F98]  }
0x1a: {  	s8 =	sadd.s32 $0xFFFFE003, lr  }
0x1b: {  	s9 =	sadd.s32 $0xFFFFFEF7, lr;
	s5 =	simm.s32 $0xFFFFFFFF;
	p2 =	slt.u32 s8, $0xFFFFF086  }
0x1c: {  	p1 =	slt.u32 s9, $0xF7A;
	s5 =	simm.s32 @!p2 $0x0  }
0x1d: {  	s5 =	simm.s32 @p1 $0x1;
	p0 =	seq.s32 s7, s2  }
0x1e: {  	s7 =	smul.u32 @!p0 $0xF7A, s2;
	p2 =	seq.s32 @!p0 s5, $0x0  }
0x1f: {  	s9 =	smul.u32 $0xF7A, s1;
	s8 =	simm.s32 @!p0 $0x1BF5;
	p2 =	por !p2, p0  }
0x20: {  	[sflag:s8] =	ssyncset.s32 @!p0 $0xFFFFF086;
	s6 =	sadd.s32 @!p0 s3, s7;
	s7 =	simm.s32 @!p0 $0x108  }
0x21: {  	s3 =	sadd.s32 s3, s9;
	s6 =	sadd.s32 @!p0 $0x88, s6;
	s7 =	simm.s32 @p2 $0x1082  }
0x22: {  	[simem:s7], [sflag:s8] =	dma.local @!p0 [hbm:s6], $0xF7A  }
0x23: {  	s9 =	sor.u32 $0xD0000000, s2;
	s6 =	simm.s32 $0x108;
	_ =	swait.ge @!p0 [sflag:s8], $0x0  }
0x24: {  	s3 =	sadd.s32 $0x88, s3;
	s6 =	simm.s32 @!p1 $0x1082;
	[sflag:s4] =	ssyncset.s32 $0xFFFFF086  }
0x25: {  	[simem:s6], [sflag:s4] =	dma.local [hbm:s3], $0xF7A  }
0x26: {  	[smem:$0x3F98] =	sst s1;
	(tag) =	ssettag s2;
	_ =	strace s9  }
0x27: {  	s1 =	sld [smem:$0x3FA8]  }
0x28: {  	s2 =	sld [smem:$0x3FA9]  }
0x29: {  	s4 =	sld [smem:$0x3FAB]  }
0x2a: {  	p0 =	seq.s32 s5, $0x0;
	s5 =	sld [smem:$0x3FAC]  }
0x2b: {  	s6 =	sld [smem:$0x3FAD]  }
0x2c: {  	s7 =	sld [smem:$0x3FAE]  }
0x2d: {  	s3 =	simm.s32 $0x108;
	s8 =	sld [smem:$0x3FAF]  }
0x2e: {  	s3 =	simm.s32 @!p0 $0x1082;
	s9 =	sld [smem:$0x3FB0]  }
0x2f: {  	lr =	sadd.s32 s0, s3;
	s0 =	sld [smem:$0x3FA7]  }
0x30: {  	s3 =	sld [smem:$0x3FAA]  }
0x31: {  	[smem:$0x3FB3] =	sst s10  }
0x32: {  	s10 =	sld [smem:$0x3FB1];
	_ =	sdelay $0x3  }
0x33: {  	p0 =	seq.s32 s10, $0x1;
	s10 =	sld [smem:$0x3FB3];
	_ =	sdelay $0x3  }
0x34: {  	[smem:$0x3FB3] =	sst s10  }
0x35: {  	s10 =	sld [smem:$0x3FB2];
	_ =	sdelay $0x3  }
0x36: {  	p1 =	seq.s32 s10, $0x1;
	s10 =	sld [smem:$0x3FB3];
	_ =	sdelay $0x3  }
0x37: {  	[smem:$0x3FB3] =	sst s10  }
0x38: {  	s10 =	sld [smem:$0x3FB4]  }
0x39: {  	_ = 	snop;
	(pc) =	sbr.ind lr, $3  }
0x3a: {  	_ = 	snop  }
0x3b: {  	_ = 	snop  }
0x3c: {  	p2 =	seq.s32 s10, $0x1;
	s10 =	sld [smem:$0x3FB3]  }
0x3d: {  	_ =	shalt  }
0x3e: {  	_ =	shalt  }
0x3f: {  	_ =	shalt  }
0x40: {  	_ =	shalt  }
0x41: {  	_ =	shalt  }
0x42: {  	_ =	shalt  }
0x43: {  	_ =	shalt  }
0x44: {  	_ =	shalt  }
0x45: {  	_ =	shalt  }
0x46: {  	_ =	shalt  }
0x47: {  	_ =	shalt  }
0x48: {  	_ =	shalt  }
0x49: {  	_ =	shalt  }
0x4a: {  	_ =	shalt  }
0x4b: {  	_ =	shalt  }
0x4c: {  	_ =	shalt  }
0x4d: {  	_ =	shalt  }
0x4e: {  	_ =	shalt  }
0x4f: {  	_ =	shalt  }
0x50: {  	_ =	shalt  }
0x51: {  	_ =	shalt  }
0x52: {  	_ =	shalt  }
0x53: {  	_ =	shalt  }
0x54: {  	_ =	shalt  }
0x55: {  	_ =	shalt  }
0x56: {  	_ =	shalt  }
0x57: {  	_ =	shalt  }
0x58: {  	_ =	shalt  }
0x59: {  	_ =	shalt  }
0x5a: {  	_ =	shalt  }
0x5b: {  	_ =	shalt  }
0x5c: {  	_ =	shalt  }
0x5d: {  	_ =	shalt  }
0x5e: {  	_ =	shalt  }
0x5f: {  	_ =	shalt  }
0x60: {  	_ =	shalt  }
0x61: {  	_ =	shalt  }
0x62: {  	_ =	shalt  }
0x63: {  	_ =	shalt  }
0x64: {  	_ =	shalt  }
0x65: {  	_ =	shalt  }
0x66: {  	_ =	shalt  }
0x67: {  	_ =	shalt  }
0x68: {  	_ =	shalt  }
0x69: {  	_ =	shalt  }
0x6a: {  	_ =	shalt  }
0x6b: {  	_ =	shalt  }
0x6c: {  	_ =	shalt  }
0x6d: {  	_ =	shalt  }
0x6e: {  	_ =	shalt  }
0x6f: {  	_ =	shalt  }
0x70: {  	_ =	shalt  }
0x71: {  	_ =	shalt  }
0x72: {  	_ =	shalt  }
0x73: {  	_ =	shalt  }
0x74: {  	_ =	shalt  }
0x75: {  	_ =	shalt  }
0x76: {  	_ =	shalt  }
0x77: {  	_ =	shalt  }
0x78: {  	_ =	shalt  }
0x79: {  	_ =	shalt  }
0x7a: {  	_ =	shalt  }
0x7b: {  	_ =	shalt  }
0x7c: {  	_ =	shalt  }
0x7d: {  	_ =	shalt  }
0x7e: {  	_ =	shalt  }
0x7f: {  	_ =	shalt  }
0x80: {  	_ =	shalt  }
0x81: {  	_ =	shalt  }
0x82: {  	_ =	shalt  }
0x83: {  	_ =	shalt  }
0x84: {  	_ =	shalt  }
0x85: {  	_ =	shalt  }
0x86: {  	_ =	shalt  }
0x87: {  	_ =	shalt  }
.Lfunc_end0:
.L_simem_size_0:
called_computation_lowered:
.L_overlay_start_0:
0x88: {  	s2 =	sld [smem:$0x3FD9]  }
0x89: {  	s3 =	sld [smem:$0x3FFE];
	_ =	sdelay $0x1  }
0x8a: {  	s1 =	srdreg.scid  }
0x8b: {  	s0 =	sand.u32 $0x1, s1  }
0x8c: {  	s16 =	sshll.u32 s0, $0xA;
	s2 =	sadd.s32 s3, s2  }
0x8d: {  	s2 =	sadd.s32 s2, s16  }
0x8e: {  	[smem:$0x3FBF] =	sst s2  }
0x8f: {  	_ = 	snop  }
0x90: {  	(tm) =	ssettm $0x1  }
0x91: {  	s17 =	sld [smem:$0x3FFB];
	_ =	sdelay $0x3  }
0x92: {  	_ =	strace s17  }
0x93: {  	s2 =	sld [smem:$0x3FFC];
	_ =	sdelay $0x3  }
0x94: {  	_ =	strace s2  }
0x95: {  	s2 =	sld [smem:$0x3FFD];
	_ =	sdelay $0x3  }
0x96: {  	_ =	strace s2  }
0x97: {  	_ =	strace $0x8FFFFFFF  }
0x98: {  	s18 =	sld [smem:$0x3FDB];
	_ =	sdelay $0x1  }
0x99: {  	s19 =	simm.s32 $_scs_section_size  }
0x9a: {  	s4 =	simm.s32 $_size__tile_overlayer_lowered;
	s5 =	simm.s32 $_tile_overlayer_lowered  }
0x9b: {  	s22 =	simm.s32 $0x1BFF;
	s21 =	sshll.u32 s5, $0x1;
	s2 =	sadd.s32 s19, s18  }
0x9c: {  	s6 =	simm.s32 $0x0;
	s20 =	sshll.u32 s4, $0x1;
	s4 =	sadd.s32 s21, s2  }
0x9d: {  	[timem:s6], [sflag:s22] =	dma.local [hbm:s4], s20  }
0x9e: {  	_ =	swait.ge [sflag:s22], s20  }
0x9f: {  	s3 =	ssub.s32 $0x0, s20;
	[sflag:s22] =	ssyncset.done $0x0  }
0xa0: {  	[sflag:s22] =	ssyncadd.s32 s3;
	_ =	sdelay $0x1  }
0xa1: {  	s23 =	simm.s32 $0x1B8B  }
0xa2: {  	_ =	swait.ge [sflag:s23], $0x1  }
0xa3: {  	[sflag:s23] =	ssyncset.done $0x0  }
0xa4: {  	s25 =	simm.s32 $0x1B8E;
	s24 =	sld [smem:$0x3FFE];
	[sflag:s23] =	ssyncadd.s32 $0xFFFFFFFF  }
0xa5: {  	s26 =	simm.s32 $execute0_lowered;
	[smem:$0x3FD2] =	sst s25  }
0xa6: {  	s4 =	sshll.u32 s26, $0x1;
	_ =	strace $0x80000046;
	[dreg:$0x1] =	wrdreg $0xFFFFFFFF  }
0xa7: {  	s28 =	simm.s32 $_size_execute0_lowered;
	s2 =	sadd.s32 s2, s4;
	[dreg:$0x0] =	wrdreg $0x0  }
0xa8: {  	s4 =	sshll.u32 s28, $0x1;
	[dreg:$0x2] =	wrdreg s2  }
0xa9: {  	[dreg:$0x3] =	wrdreg s4  }
0xaa: {  	[dreg:$0x4] =	wrdreg $0xC0  }
0xab: {  	_ =	task [dreg:s6], $0x5FFFF  }
0xac: {  	[dreg:$0x1] =	wrdreg $0xFFFFFFFF  }
0xad: {  	[dreg:$0x0] =	wrdreg $0x60  }
0xae: {  	[dreg:$0x2] =	wrdreg s24  }
0xaf: {  	[dreg:$0x3] =	wrdreg $0x89000  }
0xb0: {  	[dreg:$0x4] =	wrdreg $0xB1000  }
0xb1: {  	[dreg:$0x5] =	wrdreg $0x9  }
0xb2: {  	_ =	task.clear_ibuf [dreg:s6], $0x6FFFF;
	_ =	strace $0x90000046  }
0xb3: {  	s29 =	simm.s32 $0x9;
	_ =	strace $0x80000048  }
0xb4: {  	_ =	swait.ge [sflag:s29], $0x1  }
0xb5: {  	[sflag:s29] =	ssyncadd.s32 $0xFFFFFFFF  }
0xb6: {  	_ =	strace $0x90000048  }
0xb7: {  	_ =	sfence  }
0xb8: {  	s30 =	sld [smem:$0x0];
	_ =	sdelay $0x2  }
0xb9: {  	s31 =	sshll.u32 s1, $0xD;
	s1 =	sshrl.u32 s1, $0x2  }
0xba: {  	s3 =	sand.u32 $0x4000, s31;
	s1 =	sadd.s32 s1, s30  }
0xbb: {  	s0 =	sor.u32 s3, s0;
	s1 =	sshll.u32 s1, $0x11  }
0xbc: {  	s0 =	sor.u32 s1, s0  }
0xbd: {  	s0 =	sadd.s32 $0x8F2B, s0  }
0xbe: {  	[sflag:s0] =	ssyncadd.remote.s32 $0x1  }
0xbf: {  	_ =	sfence.sel $0xFFFF  }
0xc0: {  	[dreg:$0x0] =	wrdreg $0xFFFFFFFF;
	(pc) =	sbr.abs _section_cstart, $3  }
0xc1: {  	[dreg:$0x1] =	wrdreg $0xFFFFFFFF  }
0xc2: {  	_ =	task.clear_ibuf [dreg:s6], $0x2FFFF;
	_ =	strace $0x9FFFFFFF  }
0xc3: {  	(tm) =	ssettm $0x7FFFFFFF  }
tec
execute0_lowered:
.L_overlay_start_1:
0x0: {  	(tag) =	ssettag $0x1  }
0x1: {  	s0 =	srdreg.scid;
	s17 =	stileid.u32  }
0x2: {  	s2 =	rddreg [dreg:$0x0];
	s31 =	simm.s32 $0x100;
	s7 =	smul.u32 $0x14000, s17  }
0x3: {  	s0 =	sand.u32 $0x1, s0;
	s5 =	sadd.s32 $0x4ED400, s2;
	s26 =	smul.u32 $0x2710, s17  }
0x4: {  	s4 =	sadd.s32 $0x1600, s2;
	s11 =	sadd.s32 $0x53D400, s2;
	s9 =	smul.u32 $0x140000, s0  }
0x5: {  	s2 =	sadd.s32 $0x4E3600, s2;
	s1 =	sshll.u32 s0, $0x4;
	s15 =	smul.u32 $0x271000, s0  }
0x6: {  	s6 =	ssub.s32 $0x2, s0;
	s0 =	smul.u32 $0x27100, s0;
	s3 =	sor.u32 s17, s1  }
0x7: {  	s1 =	rddreg [dreg:$0x1];
	s8 =	sshrl.u32 s6, $0x1;
	s23 =	sadd.s32 $0x4000, s7  }
0x8: {  	s25 =	sadd.s32 $0x8000, s7;
	s28 =	sadd.s32 $0xC000, s7;
	s30 =	sadd.s32 $0x10000, s7  }
0x9: {  	s3 =	smul.u32 $0x2710, s3;
	s6 =	ssub.s32 s6, s8;
	s10 =	sadd.s32 s9, s7  }
0xa: {  	s12 =	sadd.s32 s9, s23;
	s18 =	sadd.s32 s9, s25;
	s19 =	sadd.s32 s9, s28  }
0xb: {  	s22 =	sadd.s32 s9, s30;
	s0 =	sadd.s32 s26, s0;
	s26 =	sadd.s32 s28, s1  }
0xc: {  	s29 =	sadd.s32 s30, s1;
	s10 =	sshrl.u32 s10, $0x3;
	s12 =	sshrl.u32 s12, $0x3  }
0xd: {  	s21 =	sshrl.u32 s19, $0x3;
	s0 =	sshrl.u32 s0, $0x3;
	s13 =	sadd.s32 s5, s10  }
0xe: {  	s19 =	sadd.s32 s7, s1;
	s10 =	sadd.s32 s11, s10;
	[dreg:$0x4] =	wrdreg s13  }
0xf: {  	s3 =	sadd.s32 $0x2700, s3;
	s16 =	sadd.s32 s5, s12;
	[dreg:$0x5] =	wrdreg s10  }
0x10: {  	s12 =	sadd.s32 s11, s12;
	s24 =	sadd.s32 s11, s21;
	[dreg:$0x6] =	wrdreg s16  }
0x11: {  	s14 =	sshll.u32 s3, $0x4;
	[dreg:$0x7] =	wrdreg s12;
	s10 =	sshrl.u32 s18, $0x3  }
0x12: {  	s12 =	sadd.s32 s5, s21;
	[dreg:$0xb] =	wrdreg s24;
	s16 =	smul.u32 $0x27100, s17  }
0x13: {  	s13 =	rddreg [dreg:$0x2];
	s3 =	sshrl.u32 s3, $0x3;
	s18 =	sadd.s32 s0, s2  }
0x14: {  	s24 =	sadd.s32 s25, s1;
	s0 =	simm.s32 $0x80;
	s20 =	sadd.s32 s5, s10  }
0x15: {  	s10 =	sadd.s32 s11, s10;
	[dreg:$0xa] =	wrdreg s12;
	s12 =	sshrl.u32 s22, $0x3  }
0x16: {  	s14 =	sadd.s32 s4, s14;
	s4 =	sadd.s32 s15, s4;
	s15 =	simm.s32 $0x0  }
0x17: {  	s17 =	sadd.s32 s2, s3;
	s21 =	sadd.s32 s7, s13;
	s22 =	sadd.s32 s23, s1  }
0x18: {  	s23 =	sadd.s32 s23, s13;
	s25 =	sadd.s32 s25, s13;
	s28 =	sadd.s32 s28, s13  }
0x19: {  	s30 =	sadd.s32 s30, s13;
	s2 =	simm.s32 $0x4900;
	[dreg:$0x8] =	wrdreg s20  }
0x1a: {  	s3 =	simm.s32 $0x4100;
	[dreg:$0x9] =	wrdreg s10;
	s5 =	sadd.s32 s5, s12  }
0x1b: {  	s12 =	sadd.s32 s11, s12;
	s16 =	sadd.s32 s16, s4;
	[smem:$0x7FF] =	sst s15  }
0x1c: {  	s20 =	smax.u32 s6, $0x1;
	s11 =	simm.s32 $0x1;
	[dreg:$0xc] =	wrdreg s5  }
0x1d: {  	v0 =	vimm.f32 $1.000000000e+00;
	v1 =	vimm.f32 $0.0e+00;
	s4 =	simm.s32 $0x10;
	s5 =	simm.s32 $0x0;
	_ =	strace $0x80000047  }
.LBB2_1:
0x1e: {  	s6 =	simm.s32 $0x200;
	s7 =	simm.s32 $0x0  }
.LBB2_2:
0x1f: {  	p0 =	sne.s32 s6, $0xFE00;
	[tilespmem:s7+$0x4900] =	vst v0;
	s8 =	smov.u32 s6;
	s6 =	sadd.s32 $0x200, s6  }
.Ltmp0:
0x20: {  	[tilespmem:s7+$0x100] =	vst v1;
	(pc) =	sbr.rel @p0 .LBB2_2-.Ltmp0, $2  }
0x21: {  	_ =	sdelay $0x2  }
0x22: {  	s7 =	sshra.s32 s8, $0x2  }
0x23: {  	[tilespmem:s7+$0x4900] =	vst v0  }
0x24: {  	[tilespmem:s7+$0x100] =	vst v1  }
0x25: {  	[spmem:s19] =	stream.linear.scatter [tilespmem:s31], [sflag:$0x1], $0x4000, $0x38;
	[tilespmem:$0xD900] =	vst v63  }
0x26: {  	_ =	swait.ge [sflag:s11], $0x4000  }
0x27: {  	[sflag:s11] =	ssyncset.done $0x0  }
0x28: {  	[sflag:s11] =	ssyncadd.s32 $0xFFFFC000  }
0x29: {  	[spmem:s21] =	stream.linear.scatter [tilespmem:s31], [sflag:$0x1], $0x4000, $0x38;
	[tilespmem:$0xD900] =	vst v63  }
0x2a: {  	_ =	swait.ge [sflag:s11], $0x4000  }
0x2b: {  	[sflag:s11] =	ssyncset.done $0x0  }
0x2c: {  	[sflag:s11] =	ssyncadd.s32 $0xFFFFC000  }
0x2d: {  	[spmem:s22] =	stream.linear.scatter [tilespmem:s31], [sflag:$0x1], $0x4000, $0x38;
	[tilespmem:$0xD900] =	vst v63  }
0x2e: {  	_ =	swait.ge [sflag:s11], $0x4000  }
0x2f: {  	[sflag:s11] =	ssyncset.done $0x0  }
0x30: {  	[sflag:s11] =	ssyncadd.s32 $0xFFFFC000  }
0x31: {  	[spmem:s23] =	stream.linear.scatter [tilespmem:s31], [sflag:$0x1], $0x4000, $0x38;
	[tilespmem:$0xD900] =	vst v63  }
0x32: {  	_ =	swait.ge [sflag:s11], $0x4000  }
0x33: {  	[sflag:s11] =	ssyncset.done $0x0  }
0x34: {  	[sflag:s11] =	ssyncadd.s32 $0xFFFFC000  }
0x35: {  	[spmem:s24] =	stream.linear.scatter [tilespmem:s31], [sflag:$0x1], $0x4000, $0x38;
	[tilespmem:$0xD900] =	vst v63  }
0x36: {  	_ =	swait.ge [sflag:s11], $0x4000  }
0x37: {  	[sflag:s11] =	ssyncset.done $0x0  }
0x38: {  	[sflag:s11] =	ssyncadd.s32 $0xFFFFC000  }
0x39: {  	[spmem:s25] =	stream.linear.scatter [tilespmem:s31], [sflag:$0x1], $0x4000, $0x38;
	[tilespmem:$0xD900] =	vst v63  }
0x3a: {  	_ =	swait.ge [sflag:s11], $0x4000  }
0x3b: {  	[sflag:s11] =	ssyncset.done $0x0  }
0x3c: {  	[sflag:s11] =	ssyncadd.s32 $0xFFFFC000  }
0x3d: {  	[spmem:s26] =	stream.linear.scatter [tilespmem:s31], [sflag:$0x1], $0x4000, $0x38;
	[tilespmem:$0xD900] =	vst v63  }
0x3e: {  	_ =	swait.ge [sflag:s11], $0x4000  }
0x3f: {  	[sflag:s11] =	ssyncset.done $0x0  }
0x40: {  	[sflag:s11] =	ssyncadd.s32 $0xFFFFC000  }
0x41: {  	[spmem:s28] =	stream.linear.scatter [tilespmem:s31], [sflag:$0x1], $0x4000, $0x38;
	[tilespmem:$0xD900] =	vst v63  }
0x42: {  	_ =	swait.ge [sflag:s11], $0x4000  }
0x43: {  	[sflag:s11] =	ssyncset.done $0x0  }
0x44: {  	[sflag:s11] =	ssyncadd.s32 $0xFFFFC000  }
0x45: {  	[spmem:s29] =	stream.linear.scatter [tilespmem:s31], [sflag:$0x1], $0x4000, $0x38;
	[tilespmem:$0xD900] =	vst v63  }
0x46: {  	_ =	swait.ge [sflag:s11], $0x4000  }
0x47: {  	[sflag:s11] =	ssyncset.done $0x0  }
0x48: {  	[sflag:s11] =	ssyncadd.s32 $0xFFFFC000  }
0x49: {  	[spmem:s30] =	stream.linear.scatter [tilespmem:s31], [sflag:$0x1], $0x4000, $0x38;
	[tilespmem:$0xD900] =	vst v63  }
0x4a: {  	_ =	swait.ge [sflag:s11], $0x4000  }
0x4b: {  	[sflag:s11] =	ssyncset.done $0x0  }
0x4c: {  	[sflag:s11] =	ssyncadd.s32 $0xFFFFC000  }
0x4d: {  	s6 =	sadd.s32 $0x0, s18;
	[bflag:$0x0] =	sbarrier.arrive $0xFFFF  }
0x4e: {  	[tilespmem:s15], [sflag:$0x1] =	stream.linear.gather [hbm4b:s6+s15], $0x80, $0x38;
	[tilespmem:$0xD900] =	vst v63  }
0x4f: {  	_ =	swait.ge [sflag:s11], $0x80  }
0x50: {  	[sflag:s11] =	ssyncset.done $0x0  }
0x51: {  	[sflag:s11] =	ssyncadd.s32 $0xFFFFFF80  }
0x52: {  	[tilespmem:s31], [sflag:$0x1] =	stream.linear.gather [hbm4b:s16+s15], $0x4000, $0x38;
	[tilespmem:$0xD900] =	vst v63  }
0x53: {  	_ =	swait.ge [sflag:s11], $0x4000  }
0x54: {  	[sflag:s11] =	ssyncset.done $0x0  }
0x55: {  	[sflag:s11] =	ssyncadd.s32 $0xFFFFC000  }
0x56: {  	[spmem:s1] =	stream.indirect.scatter.add.f32 [tilespmem:s31], [sflag:$0x1], $0x10, s15, s0, $0xb8;
	[tilespmem:$0xD900] =	vst v63  }
0x57: {  	_ =	swait.ge [sflag:s11], $0x800  }
0x58: {  	[sflag:s11] =	ssyncset.done $0x0  }
0x59: {  	[sflag:s11] =	ssyncadd.s32 $0xFFFFF800  }
0x5a: {  	[spmem:s13] =	stream.indirect.scatter.add.f32 [tilespmem:s2], [sflag:$0x1], $0x10, s15, s0, $0xb8;
	[tilespmem:$0xD900] =	vst v63  }
0x5b: {  	s7 =	simm.s32 $0x10;
	_ =	swait.ge [sflag:s11], $0x800  }
0x5c: {  	s8 =	simm.s32 $0x20;
	s6 =	sadd.s32 $0x800, s16;
	[sflag:s11] =	ssyncset.done $0x0  }
.LBB2_4:
0x5d: {  	s9 =	sadd.s32 s7, s18  }
0x5e: {  	[sflag:s11] =	ssyncadd.s32 $0xFFFFF800;
	s7 =	smov.u32 s8;
	s10 =	sadd.s32 $0x10, s8  }
0x5f: {  	[tilespmem:s15], [sflag:$0x1] =	stream.linear.gather [hbm4b:s9+s15], $0x80, $0x38;
	[tilespmem:$0xD900] =	vst v63  }
0x60: {  	p0 =	sne.s32 s8, $0x4D0;
	_ =	swait.ge [sflag:s11], $0x80  }
0x61: {  	[sflag:s11] =	ssyncset.done $0x0  }
0x62: {  	[sflag:s11] =	ssyncadd.s32 $0xFFFFFF80  }
0x63: {  	[tilespmem:s31], [sflag:$0x1] =	stream.linear.gather [hbm4b:s6+s15], $0x4000, $0x38;
	[tilespmem:$0xD900] =	vst v63  }
0x64: {  	_ =	swait.ge [sflag:s11], $0x4000  }
0x65: {  	[sflag:s11] =	ssyncset.done $0x0  }
0x66: {  	[sflag:s11] =	ssyncadd.s32 $0xFFFFC000  }
0x67: {  	[spmem:s1] =	stream.indirect.scatter.add.f32 [tilespmem:s31], [sflag:$0x1], $0x10, s15, s0, $0xb8;
	[tilespmem:$0xD900] =	vst v63  }
0x68: {  	_ =	swait.ge [sflag:s11], $0x800  }
.Ltmp1:
0x69: {  	[sflag:s11] =	ssyncset.done $0x0;
	(pc) =	sbr.rel @p0 .LBB2_4-.Ltmp1, $4  }
0x6a: {  	[sflag:s11] =	ssyncadd.s32 $0xFFFFF800  }
0x6b: {  	[spmem:s13] =	stream.indirect.scatter.add.f32 [tilespmem:s2], [sflag:$0x1], $0x10, s15, s0, $0xb8;
	[tilespmem:$0xD900] =	vst v63  }
0x6c: {  	_ =	swait.ge [sflag:s11], $0x800  }
0x6d: {  	s8 =	smov.u32 s10;
	s6 =	sadd.s32 $0x800, s6;
	[sflag:s11] =	ssyncset.done $0x0  }
0x6e: {  	s7 =	sadd.s32 s7, s18;
	[sflag:s11] =	ssyncadd.s32 $0xFFFFF800  }
0x6f: {  	[tilespmem:s15], [sflag:$0x1] =	stream.linear.gather [hbm4b:s7+s15], $0x80, $0x38;
	[tilespmem:$0xD900] =	vst v63  }
0x70: {  	_ =	swait.ge [sflag:s11], $0x80  }
0x71: {  	[sflag:s11] =	ssyncset.done $0x0  }
0x72: {  	[sflag:s11] =	ssyncadd.s32 $0xFFFFFF80  }
0x73: {  	[tilespmem:s31], [sflag:$0x1] =	stream.linear.gather [hbm4b:s6+s15], $0x4000, $0x38;
	[tilespmem:$0xD900] =	vst v63  }
0x74: {  	_ =	swait.ge [sflag:s11], $0x4000  }
0x75: {  	[sflag:s11] =	ssyncset.done $0x0  }
0x76: {  	[sflag:s11] =	ssyncadd.s32 $0xFFFFC000  }
0x77: {  	[spmem:s1] =	stream.indirect.scatter.add.f32 [tilespmem:s31], [sflag:$0x1], $0x10, s15, s0, $0xb8;
	[tilespmem:$0xD900] =	vst v63  }
0x78: {  	_ =	swait.ge [sflag:s11], $0x800  }
0x79: {  	[sflag:s11] =	ssyncset.done $0x0  }
0x7a: {  	[sflag:s11] =	ssyncadd.s32 $0xFFFFF800  }
0x7b: {  	[spmem:s13] =	stream.indirect.scatter.add.f32 [tilespmem:s2], [sflag:$0x1], $0x10, s15, s0, $0xb8;
	[tilespmem:$0xD900] =	vst v63  }
0x7c: {  	_ =	swait.ge [sflag:s11], $0x800  }
0x7d: {  	[sflag:s11] =	ssyncset.done $0x0  }
0x7e: {  	[sflag:s11] =	ssyncadd.s32 $0xFFFFF800  }
0x7f: {  	[tilespmem:s0], [sflag:$0x1] =	stream.linear.gather [hbm4b:s17+s15], $0x10, $0x38;
	[tilespmem:$0xD900] =	vst v63  }
0x80: {  	_ =	swait.ge [sflag:s11], $0x10  }
0x81: {  	[sflag:s11] =	ssyncset.done $0x0  }
0x82: {  	[sflag:s11] =	ssyncadd.s32 $0xFFFFFFF0  }
0x83: {  	[tilespmem:s3], [sflag:$0x1] =	stream.linear.gather [hbm4b:s14+s15], $0x800, $0x38;
	[tilespmem:$0xD900] =	vst v63  }
0x84: {  	_ =	swait.ge [sflag:s11], $0x800  }
0x85: {  	[sflag:s11] =	ssyncset.done $0x0  }
0x86: {  	[sflag:s11] =	ssyncadd.s32 $0xFFFFF800  }
0x87: {  	[spmem:s1] =	stream.indirect.scatter.add.f32 [tilespmem:s3], [sflag:$0x1], $0x10, s0, s4, $0xb8;
	[tilespmem:$0xD900] =	vst v63  }
0x88: {  	_ =	swait.ge [sflag:s11], $0x100  }
0x89: {  	[sflag:s11] =	ssyncset.done $0x0  }
0x8a: {  	[sflag:s11] =	ssyncadd.s32 $0xFFFFFF00  }
0x8b: {  	[spmem:s13] =	stream.indirect.scatter.add.f32 [tilespmem:s2], [sflag:$0x1], $0x10, s0, s4, $0xb8;
	[tilespmem:$0xD900] =	vst v63  }
0x8c: {  	_ =	swait.ge [sflag:s11], $0x100  }
0x8d: {  	[sflag:s11] =	ssyncset.done $0x0  }
0x8e: {  	[sflag:s11] =	ssyncadd.s32 $0xFFFFFF00  }
0x8f: {  	[bflag:$0x0] =	sbarrier.arrive $0xFFFF  }
0x90: {  	[tilespmem:s31], [sflag:$0x1] =	stream.linear.gather [spmem:s19], $0x4000, $0x38;
	[tilespmem:$0xD900] =	vst v63  }
0x91: {  	_ =	swait.ge [sflag:s11], $0x4000  }
0x92: {  	[sflag:s11] =	ssyncset.done $0x0  }
0x93: {  	s10 =	rddreg [dreg:$0x4];
	[sflag:s11] =	ssyncadd.s32 $0xFFFFC000  }
0x94: {  	[hbm4b:s10+s15] =	stream.linear.scatter [tilespmem:s31], [sflag:$0x1], $0x4000, $0x38;
	[tilespmem:$0xD900] =	vst v63  }
0x95: {  	_ =	swait.ge [sflag:s11], $0x4000  }
0x96: {  	[sflag:s11] =	ssyncset.done $0x0  }
0x97: {  	[sflag:s11] =	ssyncadd.s32 $0xFFFFC000  }
0x98: {  	[tilespmem:s31], [sflag:$0x1] =	stream.linear.gather [spmem:s21], $0x4000, $0x38;
	[tilespmem:$0xD900] =	vst v63  }
0x99: {  	_ =	swait.ge [sflag:s11], $0x4000  }
0x9a: {  	[sflag:s11] =	ssyncset.done $0x0  }
0x9b: {  	s7 =	rddreg [dreg:$0x5];
	[sflag:s11] =	ssyncadd.s32 $0xFFFFC000  }
0x9c: {  	[hbm4b:s7+s15] =	stream.linear.scatter [tilespmem:s31], [sflag:$0x1], $0x4000, $0x38;
	[tilespmem:$0xD900] =	vst v63  }
0x9d: {  	_ =	swait.ge [sflag:s11], $0x4000  }
0x9e: {  	[sflag:s11] =	ssyncset.done $0x0  }
0x9f: {  	[sflag:s11] =	ssyncadd.s32 $0xFFFFC000  }
0xa0: {  	[tilespmem:s31], [sflag:$0x1] =	stream.linear.gather [spmem:s22], $0x4000, $0x38;
	[tilespmem:$0xD900] =	vst v63  }
0xa1: {  	_ =	swait.ge [sflag:s11], $0x4000  }
0xa2: {  	[sflag:s11] =	ssyncset.done $0x0  }
0xa3: {  	s8 =	rddreg [dreg:$0x6];
	[sflag:s11] =	ssyncadd.s32 $0xFFFFC000  }
0xa4: {  	[hbm4b:s8+s15] =	stream.linear.scatter [tilespmem:s31], [sflag:$0x1], $0x4000, $0x38;
	[tilespmem:$0xD900] =	vst v63  }
0xa5: {  	_ =	swait.ge [sflag:s11], $0x4000  }
0xa6: {  	[sflag:s11] =	ssyncset.done $0x0  }
0xa7: {  	[sflag:s11] =	ssyncadd.s32 $0xFFFFC000  }
0xa8: {  	[tilespmem:s31], [sflag:$0x1] =	stream.linear.gather [spmem:s23], $0x4000, $0x38;
	[tilespmem:$0xD900] =	vst v63  }
0xa9: {  	_ =	swait.ge [sflag:s11], $0x4000  }
0xaa: {  	[sflag:s11] =	ssyncset.done $0x0  }
0xab: {  	s9 =	rddreg [dreg:$0x7];
	[sflag:s11] =	ssyncadd.s32 $0xFFFFC000  }
0xac: {  	[hbm4b:s9+s15] =	stream.linear.scatter [tilespmem:s31], [sflag:$0x1], $0x4000, $0x38;
	[tilespmem:$0xD900] =	vst v63  }
0xad: {  	_ =	swait.ge [sflag:s11], $0x4000  }
0xae: {  	[sflag:s11] =	ssyncset.done $0x0  }
0xaf: {  	[sflag:s11] =	ssyncadd.s32 $0xFFFFC000  }
0xb0: {  	[tilespmem:s31], [sflag:$0x1] =	stream.linear.gather [spmem:s24], $0x4000, $0x38;
	[tilespmem:$0xD900] =	vst v63  }
0xb1: {  	_ =	swait.ge [sflag:s11], $0x4000  }
0xb2: {  	[sflag:s11] =	ssyncset.done $0x0  }
0xb3: {  	s10 =	rddreg [dreg:$0x8];
	[sflag:s11] =	ssyncadd.s32 $0xFFFFC000  }
0xb4: {  	[hbm4b:s10+s15] =	stream.linear.scatter [tilespmem:s31], [sflag:$0x1], $0x4000, $0x38;
	[tilespmem:$0xD900] =	vst v63  }
0xb5: {  	_ =	swait.ge [sflag:s11], $0x4000  }
0xb6: {  	[sflag:s11] =	ssyncset.done $0x0  }
0xb7: {  	[sflag:s11] =	ssyncadd.s32 $0xFFFFC000  }
0xb8: {  	[tilespmem:s31], [sflag:$0x1] =	stream.linear.gather [spmem:s25], $0x4000, $0x38;
	[tilespmem:$0xD900] =	vst v63  }
0xb9: {  	_ =	swait.ge [sflag:s11], $0x4000  }
0xba: {  	[sflag:s11] =	ssyncset.done $0x0  }
0xbb: {  	s7 =	rddreg [dreg:$0x9];
	[sflag:s11] =	ssyncadd.s32 $0xFFFFC000  }
0xbc: {  	[hbm4b:s7+s15] =	stream.linear.scatter [tilespmem:s31], [sflag:$0x1], $0x4000, $0x38;
	[tilespmem:$0xD900] =	vst v63  }
0xbd: {  	_ =	swait.ge [sflag:s11], $0x4000  }
0xbe: {  	[sflag:s11] =	ssyncset.done $0x0  }
0xbf: {  	[sflag:s11] =	ssyncadd.s32 $0xFFFFC000  }
0xc0: {  	[tilespmem:s31], [sflag:$0x1] =	stream.linear.gather [spmem:s26], $0x4000, $0x38;
	[tilespmem:$0xD900] =	vst v63  }
0xc1: {  	_ =	swait.ge [sflag:s11], $0x4000  }
0xc2: {  	[sflag:s11] =	ssyncset.done $0x0  }
0xc3: {  	s8 =	rddreg [dreg:$0xa];
	[sflag:s11] =	ssyncadd.s32 $0xFFFFC000  }
0xc4: {  	[hbm4b:s8+s15] =	stream.linear.scatter [tilespmem:s31], [sflag:$0x1], $0x4000, $0x38;
	[tilespmem:$0xD900] =	vst v63  }
0xc5: {  	_ =	swait.ge [sflag:s11], $0x4000  }
0xc6: {  	[sflag:s11] =	ssyncset.done $0x0  }
0xc7: {  	[sflag:s11] =	ssyncadd.s32 $0xFFFFC000  }
0xc8: {  	[tilespmem:s31], [sflag:$0x1] =	stream.linear.gather [spmem:s28], $0x4000, $0x38;
	[tilespmem:$0xD900] =	vst v63  }
0xc9: {  	_ =	swait.ge [sflag:s11], $0x4000  }
0xca: {  	[sflag:s11] =	ssyncset.done $0x0  }
0xcb: {  	s9 =	rddreg [dreg:$0xb];
	[sflag:s11] =	ssyncadd.s32 $0xFFFFC000  }
0xcc: {  	[hbm4b:s9+s15] =	stream.linear.scatter [tilespmem:s31], [sflag:$0x1], $0x4000, $0x38;
	[tilespmem:$0xD900] =	vst v63  }
0xcd: {  	_ =	swait.ge [sflag:s11], $0x4000  }
0xce: {  	[sflag:s11] =	ssyncset.done $0x0  }
0xcf: {  	[sflag:s11] =	ssyncadd.s32 $0xFFFFC000  }
0xd0: {  	[tilespmem:s31], [sflag:$0x1] =	stream.linear.gather [spmem:s29], $0x4000, $0x38;
	[tilespmem:$0xD900] =	vst v63  }
0xd1: {  	_ =	swait.ge [sflag:s11], $0x4000  }
0xd2: {  	[sflag:s11] =	ssyncset.done $0x0  }
0xd3: {  	s10 =	rddreg [dreg:$0xc];
	[sflag:s11] =	ssyncadd.s32 $0xFFFFC000  }
0xd4: {  	[hbm4b:s10+s15] =	stream.linear.scatter [tilespmem:s31], [sflag:$0x1], $0x4000, $0x38;
	[tilespmem:$0xD900] =	vst v63  }
0xd5: {  	_ =	swait.ge [sflag:s11], $0x4000  }
0xd6: {  	[sflag:s11] =	ssyncset.done $0x0  }
0xd7: {  	[sflag:s11] =	ssyncadd.s32 $0xFFFFC000  }
0xd8: {  	[tilespmem:s31], [sflag:$0x1] =	stream.linear.gather [spmem:s30], $0x4000, $0x38;
	[tilespmem:$0xD900] =	vst v63  }
0xd9: {  	s5 =	sadd.s32 $0x1, s5;
	_ =	swait.ge [sflag:s11], $0x4000  }
0xda: {  	p0 =	sne.s32 s5, s20;
	[sflag:s11] =	ssyncset.done $0x0  }
.Ltmp2:
0xdb: {  	[sflag:s11] =	ssyncadd.s32 $0xFFFFC000;
	(pc) =	sbr.rel @p0 .LBB2_1-.Ltmp2, $4  }
0xdc: {  	[hbm4b:s12+s15] =	stream.linear.scatter [tilespmem:s31], [sflag:$0x1], $0x4000, $0x38;
	[tilespmem:$0xD900] =	vst v63  }
0xdd: {  	_ =	swait.ge [sflag:s11], $0x4000  }
0xde: {  	[sflag:s11] =	ssyncset.done $0x0  }
0xdf: {  	[sflag:s11] =	ssyncadd.s32 $0xFFFFC000  }
0xe0: {  	_ =	sfence.sel $0x180000  }
0xe1: {  	[bflag:$0x0] =	sbarrier.arrive $0xFFFF  }
0xe2: {  	_ =	strace $0x90000047  }
0xe3: {  	s0 =	stileid.u32;
	[bflag:$0x2] =	sbarrier.arrive $0xFFFF  }
0xe4: {  	p0 =	sne.s32 s0, $0x0;
	s0 =	rddreg [dreg:$0x3]  }
0xe5: {  	s0 =	sadd.s32 @!p0 $0x100000, s0  }
0xe6: {  	[sflag:s0] =	ssyncadd.tile.s32 @!p0 $0x1;
	_ =	shalt  }
.Lfunc_end2:
_tile_overlayer_lowered:
.L_overlay_start_2:
0xe7: {  	(tag) =	ssettag $0x2  }
0xe8: {  	s0 =	rddreg [dreg:$0x0];
	s2 =	stileid.u32  }
0xe9: {  	s1 =	rddreg [dreg:$0x1];
	p0 =	sne.s32 s2, $0x0  }
0xea: {  	s3 =	rddreg [dreg:$0x2];
	[bflag:$0x3] =	sbarrier.arrive $0xFFFF;
	s2 =	simm.s32 @!p0 $0x1C01  }
0xeb: {  	[timem:s3], [sflag:s2] =	dma.local @!p0 [hbm:s0], s1  }
0xec: {  	s0 =	simm.s32 @!p0 $0x1  }
0xed: {  	_ =	swait.ge @!p0 [sflag:s0], s1  }
0xee: {  	s1 =	ssub.s32 @!p0 $0x0, s1;
	[sflag:s0] =	ssyncset.done @!p0 $0x0  }
0xef: {  	[sflag:s0] =	ssyncadd.s32 @!p0 s1  }
0xf0: {  	[bflag:$0x3] =	sbarrier.arrive $0xFFFF  }
0xf1: {  	_ =	shalt  }

</sc_bundles>
